<compile_context>
chip_gen: v7x
topology: tpu7x:2x2x1
jax: 0.10.2.dev20260603
libtpu: 0.0.44.dev20260713+nightly
codegen_flags: <defaults>
</compile_context>

<pallas_src>
import functools

import jax
import jax.numpy as jnp
from jax import lax
from jax.experimental import pallas as pl
from jax.experimental.pallas import tpu as pltpu
from jax.experimental.pallas import tpu_sc as plsc

_VOCAB = 100000
_DIM = 128
_BATCH = 4096
_HIST = 200

_ROWS_PER_BLK = 10000
_NUM_BLKS = _VOCAB // _ROWS_PER_BLK


def _tc_matvec_body(tab_ref, wrep_ref, eye_ref, b_ref, out_ref):
    s = jnp.dot(tab_ref[...], wrep_ref[...], preferred_element_type=jnp.float32)
    b = b_ref[0, 0]
    n_full = _ROWS_PER_BLK // _DIM
    for g in range(n_full):
        seg = s[g * _DIM:(g + 1) * _DIM, :] * eye_ref[...]
        col = jnp.sum(seg, axis=0) + b
        out_ref[0, 0, pl.ds(g * _DIM, _DIM)] = col
    tail = _ROWS_PER_BLK - n_full * _DIM
    if tail:
        seg = s[n_full * _DIM:, :] * eye_ref[:tail, :]
        col = jnp.sum(seg, axis=0) + b
        out_ref[0, 0, pl.ds(n_full * _DIM, tail)] = col[:tail]


def _tc_matvec(emb_table, fc_w, fc_b):
    w_rep = jnp.broadcast_to(fc_w.reshape(_DIM, 1), (_DIM, _DIM))
    eye = jnp.eye(_DIM, dtype=jnp.float32)
    b2 = fc_b.reshape(1, 1)
    out = pl.pallas_call(
        _tc_matvec_body,
        grid=(_NUM_BLKS,),
        in_specs=[
            pl.BlockSpec((_ROWS_PER_BLK, _DIM), lambda i: (i, 0)),
            pl.BlockSpec((_DIM, _DIM), lambda i: (0, 0)),
            pl.BlockSpec((_DIM, _DIM), lambda i: (0, 0)),
            pl.BlockSpec(memory_space=pltpu.SMEM),
        ],
        out_specs=pl.BlockSpec((1, 1, _ROWS_PER_BLK), lambda i: (i, 0, 0)),
        out_shape=jax.ShapeDtypeStruct((_NUM_BLKS, 1, _ROWS_PER_BLK), jnp.float32),
    )(emb_table, w_rep, eye, b2)
    return out.reshape(_VOCAB)


def _make_sc_pool():
    info = plsc.get_sparse_core_info()
    nc, ns, lanes = info.num_cores, info.num_subcores, info.num_lanes
    nw = nc * ns
    rows_per_w = _BATCH // nw
    chunks = rows_per_w // lanes

    mesh = plsc.VectorSubcoreMesh(core_axis_name="c", subcore_axis_name="s")

    @functools.partial(
        pl.kernel,
        mesh=mesh,
        compiler_params=pltpu.CompilerParams(needs_layout_passes=False),
        out_type=jax.ShapeDtypeStruct((_BATCH,), jnp.float32),
        scratch_types=[
            pltpu.VMEM((_VOCAB,), jnp.float32),
            pltpu.VMEM((rows_per_w * _HIST,), jnp.int32),
            pltpu.VMEM((rows_per_w,), jnp.float32),
            pltpu.SemaphoreType.DMA,
            pltpu.SemaphoreType.DMA,
        ],
    )
    def sc_pool(t_hbm, x_hbm, out_hbm, t_v, xb_v, out_v, sem_t, sem_x):
        wid = lax.axis_index("s") * nc + lax.axis_index("c")
        base = wid * rows_per_w
        cp_x = pltpu.async_copy(
            x_hbm.at[pl.ds(base * _HIST, rows_per_w * _HIST)], xb_v, sem_x)
        cp_t = pltpu.async_copy(t_hbm, t_v, sem_t)
        cp_x.wait()
        cp_t.wait()
        row_off = lax.iota(jnp.int32, lanes) * _HIST

        def chunk_body(c, _):
            coff = c * (lanes * _HIST)

            def body(j, acc):
                xv = plsc.load_gather(xb_v, [coff + row_off + j])
                tv = plsc.load_gather(t_v, [xv])
                return acc + tv

            acc = lax.fori_loop(0, _HIST, body, jnp.zeros((lanes,), jnp.float32),
                                unroll=16)
            z = acc * (1.0 / _HIST)
            out_v[pl.ds(c * lanes, lanes)] = 1.0 / (1.0 + jnp.exp(-z))
            return 0

        lax.fori_loop(0, chunks, chunk_body, 0)
        pltpu.sync_copy(out_v, out_hbm.at[pl.ds(base, rows_per_w)])

    return sc_pool


def kernel(x, emb_table, fc_w, fc_b):
    t = _tc_matvec(emb_table, fc_w, fc_b)
    pool = _make_sc_pool()
    out = pool(t, x.astype(jnp.int32).reshape(-1))
    return out.reshape(_BATCH, 1)

# --- scband reference (transcript-rebuilt; emitter-appended) ---
"""Pipeline reference for scband-brain-27522150433109 (READ-ONLY COPY).

The authoritative reference and input builder live on the scoring server;
editing this copy changes nothing except your own understanding.
"""

import jax, jax.numpy as jnp
import numpy as np

VOCAB = 100000
DIM = 128
BATCH = 4096
HIST = 200

def setup_inputs(seed: int = 0) -> dict:
    key = jax.random.key(seed)
    k1, k2, k3, k4 = jax.random.split(key, 4)
    x = jax.random.randint(k1, (BATCH, HIST), 0, VOCAB, dtype=jnp.int64 if jax.config.jax_enable_x64 else jnp.int32)
    emb_table = jax.random.normal(k2, (VOCAB, DIM), dtype=jnp.float32) * 0.02
    fc_w = jax.random.normal(k3, (DIM, 1), dtype=jnp.float32) * 0.02
    fc_b = jnp.zeros((1,), dtype=jnp.float32)
    return {"x": x, "emb_table": emb_table, "fc_w": fc_w, "fc_b": fc_b}

def reference(x, emb_table, fc_w, fc_b):
    # nn.Embedding lookup: gather rows of the table
    h = jnp.take(emb_table, x, axis=0)          # [B, L, D]
    h = jnp.mean(h, axis=1)                     # [B, D]
    logits = h @ fc_w + fc_b                    # [B, 1]
    return jax.nn.sigmoid(logits)

if __name__ == "__main__":
    import jax
    _d = setup_inputs()
    print(jax.jit(kernel)(*tuple(_d.values())))

</pallas_src>

<mosaic_0001>
#map = affine_map<(d0, d1) -> (0)>
module attributes {stable_mosaic.version = 14 : i64} {
  func.func @sc_pool(%arg0: i32, %arg1: i32, %arg2: memref<100000xf32, #tpu.memory_space<hbm>>, %arg3: memref<819200xi32, #tpu.memory_space<hbm>>, %arg4: memref<4096xf32, #tpu.memory_space<hbm>>, %arg5: memref<100000xf32, #tpu.memory_space<vmem>>, %arg6: memref<25600xi32, #tpu.memory_space<vmem>>, %arg7: memref<128xf32, #tpu.memory_space<vmem>>, %arg8: memref<!tpu.dma_semaphore, #tpu.memory_space<semaphore_mem>>, %arg9: memref<!tpu.dma_semaphore, #tpu.memory_space<semaphore_mem>>) attributes {dimension_semantics = [#tpu.dimension_semantics<core_parallel>, #tpu.dimension_semantics<subcore_parallel>], iteration_bounds = array<i64: 2, 16>, scalar_prefetch = 0 : i64, scratch_operands = 5 : i64, tpu.core_type = #tpu.core_type<sc_vector_subcore>, window_params = [{transform_indices = #map}, {transform_indices = #map}, {transform_indices = #map}]} {
    %mul3A = arith.constant 2 : i32
    %mul3A_0 = arith.muli %arg1, %mul3A : i32
    %add3A = arith.addi %mul3A_0, %arg0 : i32
    %mul3A_1 = arith.constant 128 : i32
    %mul3A_2 = arith.muli %add3A, %mul3A_1 : i32
    %mul3A_3 = arith.constant 200 : i32
    %mul3A_4 = arith.muli %mul3A_2, %mul3A_3 : i32
    %dma_start3A = tpu.memref_slice %arg3[%mul3A_4] : memref<819200xi32, #tpu.memory_space<hbm>> -> memref<25600xi32, #tpu.memory_space<hbm>>
    %dma_start3A_5 = tpu.memref_slice %arg3[%mul3A_4] : memref<819200xi32, #tpu.memory_space<hbm>> -> memref<25600xi32, #tpu.memory_space<hbm>>
    tpu.enqueue_dma source(%dma_start3A_5 : memref<25600xi32, #tpu.memory_space<hbm>>) target(%arg6 : memref<25600xi32, #tpu.memory_space<vmem>>) target_semaphore(%arg9 : memref<!tpu.dma_semaphore, #tpu.memory_space<semaphore_mem>>)
    tpu.enqueue_dma source(%arg2 : memref<100000xf32, #tpu.memory_space<hbm>>) target(%arg5 : memref<100000xf32, #tpu.memory_space<vmem>>) target_semaphore(%arg8 : memref<!tpu.dma_semaphore, #tpu.memory_space<semaphore_mem>>)
    %dma_wait3A = tpu.memref_slice %arg3[%mul3A_4] : memref<819200xi32, #tpu.memory_space<hbm>> -> memref<25600xi32, #tpu.memory_space<hbm>>
    %dma_wait3A_6 = tpu.memref_slice %arg3[%mul3A_4] : memref<819200xi32, #tpu.memory_space<hbm>> -> memref<25600xi32, #tpu.memory_space<hbm>>
    tpu.wait_dma2 semaphore(%arg9 : memref<!tpu.dma_semaphore, #tpu.memory_space<semaphore_mem>>) src(%dma_wait3A_6 : memref<25600xi32, #tpu.memory_space<hbm>>) dst(%arg6 : memref<25600xi32, #tpu.memory_space<vmem>>)
    tpu.wait_dma2 semaphore(%arg8 : memref<!tpu.dma_semaphore, #tpu.memory_space<semaphore_mem>>) src(%arg2 : memref<100000xf32, #tpu.memory_space<hbm>>) dst(%arg5 : memref<100000xf32, #tpu.memory_space<vmem>>)
    %iota3A = tpu.iota {dimensions = array<i32: 0>} : vector<16xi32>
    %mul3A_7 = arith.constant 200 : i32
    %mul3A_8 = vector.broadcast %mul3A_7 : i32 to vector<16xi32>
    %mul3A_9 = arith.muli %iota3A, %mul3A_8 : vector<16xi32>
    %scan3A = arith.constant 0 : i32
    %scan3A_10 = arith.constant 0 : i32
    %scan3A_11 = arith.constant 8 : i32
    %scan3A_12 = arith.addi %scan3A_10, %scan3A_11 : i32
    %scan3A_13 = arith.constant 1 : i32
    %scan3A_14 = scf.for %scan3A_16 = %scan3A_10 to %scan3A_12 step %scan3A_13 iter_args(%scan3A_17 = %scan3A) -> (i32)  : i32 {
      %mul3A_18 = arith.constant 3200 : i32
      %mul3A_19 = arith.muli %scan3A_16, %mul3A_18 : i32
      %broadcast_in_dim3A = arith.constant 0.000000e+00 : f32
      %broadcast_in_dim3A_20 = vector.broadcast %broadcast_in_dim3A : f32 to vector<16xf32>
      %scan3A_21 = arith.constant 0 : i32
      %scan3A_22 = arith.constant 192 : i32
      %scan3A_23 = arith.addi %scan3A_21, %scan3A_22 : i32
      %scan3A_24 = arith.constant 16 : i32
      %scan3A_25 = scf.for %scan3A_112 = %scan3A_21 to %scan3A_23 step %scan3A_24 iter_args(%scan3A_113 = %broadcast_in_dim3A_20) -> (vector<16xf32>)  : i32 {
        %add3A_114 = vector.broadcast %mul3A_19 : i32 to vector<16xi32>
        %add3A_115 = arith.addi %add3A_114, %mul3A_9 : vector<16xi32>
        %add3A_116 = vector.broadcast %scan3A_112 : i32 to vector<16xi32>
        %add3A_117 = arith.addi %add3A_115, %add3A_116 : vector<16xi32>
        %gather3A_118 = tpu.vector_load_idx %arg6[%add3A_117] : memref<25600xi32, #tpu.memory_space<vmem>>[vector<16xi32>], vector<16xi32>,
        %gather3A_119 = tpu.vector_load_idx %arg5[%gather3A_118] : memref<100000xf32, #tpu.memory_space<vmem>>[vector<16xi32>], vector<16xf32>,
        %add3A_120 = arith.addf %scan3A_113, %gather3A_119 : vector<16xf32>
        %scan3A_121 = arith.constant 1 : i32
        %scan3A_122 = arith.addi %scan3A_112, %scan3A_121 : i32
        %add3A_123 = vector.broadcast %mul3A_19 : i32 to vector<16xi32>
        %add3A_124 = arith.addi %add3A_123, %mul3A_9 : vector<16xi32>
        %add3A_125 = vector.broadcast %scan3A_122 : i32 to vector<16xi32>
        %add3A_126 = arith.addi %add3A_124, %add3A_125 : vector<16xi32>
        %gather3A_127 = tpu.vector_load_idx %arg6[%add3A_126] : memref<25600xi32, #tpu.memory_space<vmem>>[vector<16xi32>], vector<16xi32>,
        %gather3A_128 = tpu.vector_load_idx %arg5[%gather3A_127] : memref<100000xf32, #tpu.memory_space<vmem>>[vector<16xi32>], vector<16xf32>,
        %add3A_129 = arith.addf %add3A_120, %gather3A_128 : vector<16xf32>
        %scan3A_130 = arith.constant 2 : i32
        %scan3A_131 = arith.addi %scan3A_112, %scan3A_130 : i32
        %add3A_132 = vector.broadcast %mul3A_19 : i32 to vector<16xi32>
        %add3A_133 = arith.addi %add3A_132, %mul3A_9 : vector<16xi32>
        %add3A_134 = vector.broadcast %scan3A_131 : i32 to vector<16xi32>
        %add3A_135 = arith.addi %add3A_133, %add3A_134 : vector<16xi32>
        %gather3A_136 = tpu.vector_load_idx %arg6[%add3A_135] : memref<25600xi32, #tpu.memory_space<vmem>>[vector<16xi32>], vector<16xi32>,
        %gather3A_137 = tpu.vector_load_idx %arg5[%gather3A_136] : memref<100000xf32, #tpu.memory_space<vmem>>[vector<16xi32>], vector<16xf32>,
        %add3A_138 = arith.addf %add3A_129, %gather3A_137 : vector<16xf32>
        %scan3A_139 = arith.constant 3 : i32
        %scan3A_140 = arith.addi %scan3A_112, %scan3A_139 : i32
        %add3A_141 = vector.broadcast %mul3A_19 : i32 to vector<16xi32>
        %add3A_142 = arith.addi %add3A_141, %mul3A_9 : vector<16xi32>
        %add3A_143 = vector.broadcast %scan3A_140 : i32 to vector<16xi32>
        %add3A_144 = arith.addi %add3A_142, %add3A_143 : vector<16xi32>
        %gather3A_145 = tpu.vector_load_idx %arg6[%add3A_144] : memref<25600xi32, #tpu.memory_space<vmem>>[vector<16xi32>], vector<16xi32>,
        %gather3A_146 = tpu.vector_load_idx %arg5[%gather3A_145] : memref<100000xf32, #tpu.memory_space<vmem>>[vector<16xi32>], vector<16xf32>,
        %add3A_147 = arith.addf %add3A_138, %gather3A_146 : vector<16xf32>
        %scan3A_148 = arith.constant 4 : i32
        %scan3A_149 = arith.addi %scan3A_112, %scan3A_148 : i32
        %add3A_150 = vector.broadcast %mul3A_19 : i32 to vector<16xi32>
        %add3A_151 = arith.addi %add3A_150, %mul3A_9 : vector<16xi32>
        %add3A_152 = vector.broadcast %scan3A_149 : i32 to vector<16xi32>
        %add3A_153 = arith.addi %add3A_151, %add3A_152 : vector<16xi32>
        %gather3A_154 = tpu.vector_load_idx %arg6[%add3A_153] : memref<25600xi32, #tpu.memory_space<vmem>>[vector<16xi32>], vector<16xi32>,
        %gather3A_155 = tpu.vector_load_idx %arg5[%gather3A_154] : memref<100000xf32, #tpu.memory_space<vmem>>[vector<16xi32>], vector<16xf32>,
        %add3A_156 = arith.addf %add3A_147, %gather3A_155 : vector<16xf32>
        %scan3A_157 = arith.constant 5 : i32
        %scan3A_158 = arith.addi %scan3A_112, %scan3A_157 : i32
        %add3A_159 = vector.broadcast %mul3A_19 : i32 to vector<16xi32>
        %add3A_160 = arith.addi %add3A_159, %mul3A_9 : vector<16xi32>
        %add3A_161 = vector.broadcast %scan3A_158 : i32 to vector<16xi32>
        %add3A_162 = arith.addi %add3A_160, %add3A_161 : vector<16xi32>
        %gather3A_163 = tpu.vector_load_idx %arg6[%add3A_162] : memref<25600xi32, #tpu.memory_space<vmem>>[vector<16xi32>], vector<16xi32>,
        %gather3A_164 = tpu.vector_load_idx %arg5[%gather3A_163] : memref<100000xf32, #tpu.memory_space<vmem>>[vector<16xi32>], vector<16xf32>,
        %add3A_165 = arith.addf %add3A_156, %gather3A_164 : vector<16xf32>
        %scan3A_166 = arith.constant 6 : i32
        %scan3A_167 = arith.addi %scan3A_112, %scan3A_166 : i32
        %add3A_168 = vector.broadcast %mul3A_19 : i32 to vector<16xi32>
        %add3A_169 = arith.addi %add3A_168, %mul3A_9 : vector<16xi32>
        %add3A_170 = vector.broadcast %scan3A_167 : i32 to vector<16xi32>
        %add3A_171 = arith.addi %add3A_169, %add3A_170 : vector<16xi32>
        %gather3A_172 = tpu.vector_load_idx %arg6[%add3A_171] : memref<25600xi32, #tpu.memory_space<vmem>>[vector<16xi32>], vector<16xi32>,
        %gather3A_173 = tpu.vector_load_idx %arg5[%gather3A_172] : memref<100000xf32, #tpu.memory_space<vmem>>[vector<16xi32>], vector<16xf32>,
        %add3A_174 = arith.addf %add3A_165, %gather3A_173 : vector<16xf32>
        %scan3A_175 = arith.constant 7 : i32
        %scan3A_176 = arith.addi %scan3A_112, %scan3A_175 : i32
        %add3A_177 = vector.broadcast %mul3A_19 : i32 to vector<16xi32>
        %add3A_178 = arith.addi %add3A_177, %mul3A_9 : vector<16xi32>
        %add3A_179 = vector.broadcast %scan3A_176 : i32 to vector<16xi32>
        %add3A_180 = arith.addi %add3A_178, %add3A_179 : vector<16xi32>
        %gather3A_181 = tpu.vector_load_idx %arg6[%add3A_180] : memref<25600xi32, #tpu.memory_space<vmem>>[vector<16xi32>], vector<16xi32>,
        %gather3A_182 = tpu.vector_load_idx %arg5[%gather3A_181] : memref<100000xf32, #tpu.memory_space<vmem>>[vector<16xi32>], vector<16xf32>,
        %add3A_183 = arith.addf %add3A_174, %gather3A_182 : vector<16xf32>
        %scan3A_184 = arith.constant 8 : i32
        %scan3A_185 = arith.addi %scan3A_112, %scan3A_184 : i32
        %add3A_186 = vector.broadcast %mul3A_19 : i32 to vector<16xi32>
        %add3A_187 = arith.addi %add3A_186, %mul3A_9 : vector<16xi32>
        %add3A_188 = vector.broadcast %scan3A_185 : i32 to vector<16xi32>
        %add3A_189 = arith.addi %add3A_187, %add3A_188 : vector<16xi32>
        %gather3A_190 = tpu.vector_load_idx %arg6[%add3A_189] : memref<25600xi32, #tpu.memory_space<vmem>>[vector<16xi32>], vector<16xi32>,
        %gather3A_191 = tpu.vector_load_idx %arg5[%gather3A_190] : memref<100000xf32, #tpu.memory_space<vmem>>[vector<16xi32>], vector<16xf32>,
        %add3A_192 = arith.addf %add3A_183, %gather3A_191 : vector<16xf32>
        %scan3A_193 = arith.constant 9 : i32
        %scan3A_194 = arith.addi %scan3A_112, %scan3A_193 : i32
        %add3A_195 = vector.broadcast %mul3A_19 : i32 to vector<16xi32>
        %add3A_196 = arith.addi %add3A_195, %mul3A_9 : vector<16xi32>
        %add3A_197 = vector.broadcast %scan3A_194 : i32 to vector<16xi32>
        %add3A_198 = arith.addi %add3A_196, %add3A_197 : vector<16xi32>
        %gather3A_199 = tpu.vector_load_idx %arg6[%add3A_198] : memref<25600xi32, #tpu.memory_space<vmem>>[vector<16xi32>], vector<16xi32>,
        %gather3A_200 = tpu.vector_load_idx %arg5[%gather3A_199] : memref<100000xf32, #tpu.memory_space<vmem>>[vector<16xi32>], vector<16xf32>,
        %add3A_201 = arith.addf %add3A_192, %gather3A_200 : vector<16xf32>
        %scan3A_202 = arith.constant 10 : i32
        %scan3A_203 = arith.addi %scan3A_112, %scan3A_202 : i32
        %add3A_204 = vector.broadcast %mul3A_19 : i32 to vector<16xi32>
        %add3A_205 = arith.addi %add3A_204, %mul3A_9 : vector<16xi32>
        %add3A_206 = vector.broadcast %scan3A_203 : i32 to vector<16xi32>
        %add3A_207 = arith.addi %add3A_205, %add3A_206 : vector<16xi32>
        %gather3A_208 = tpu.vector_load_idx %arg6[%add3A_207] : memref<25600xi32, #tpu.memory_space<vmem>>[vector<16xi32>], vector<16xi32>,
        %gather3A_209 = tpu.vector_load_idx %arg5[%gather3A_208] : memref<100000xf32, #tpu.memory_space<vmem>>[vector<16xi32>], vector<16xf32>,
        %add3A_210 = arith.addf %add3A_201, %gather3A_209 : vector<16xf32>
        %scan3A_211 = arith.constant 11 : i32
        %scan3A_212 = arith.addi %scan3A_112, %scan3A_211 : i32
        %add3A_213 = vector.broadcast %mul3A_19 : i32 to vector<16xi32>
        %add3A_214 = arith.addi %add3A_213, %mul3A_9 : vector<16xi32>
        %add3A_215 = vector.broadcast %scan3A_212 : i32 to vector<16xi32>
        %add3A_216 = arith.addi %add3A_214, %add3A_215 : vector<16xi32>
        %gather3A_217 = tpu.vector_load_idx %arg6[%add3A_216] : memref<25600xi32, #tpu.memory_space<vmem>>[vector<16xi32>], vector<16xi32>,
        %gather3A_218 = tpu.vector_load_idx %arg5[%gather3A_217] : memref<100000xf32, #tpu.memory_space<vmem>>[vector<16xi32>], vector<16xf32>,
        %add3A_219 = arith.addf %add3A_210, %gather3A_218 : vector<16xf32>
        %scan3A_220 = arith.constant 12 : i32
        %scan3A_221 = arith.addi %scan3A_112, %scan3A_220 : i32
        %add3A_222 = vector.broadcast %mul3A_19 : i32 to vector<16xi32>
        %add3A_223 = arith.addi %add3A_222, %mul3A_9 : vector<16xi32>
        %add3A_224 = vector.broadcast %scan3A_221 : i32 to vector<16xi32>
        %add3A_225 = arith.addi %add3A_223, %add3A_224 : vector<16xi32>
        %gather3A_226 = tpu.vector_load_idx %arg6[%add3A_225] : memref<25600xi32, #tpu.memory_space<vmem>>[vector<16xi32>], vector<16xi32>,
        %gather3A_227 = tpu.vector_load_idx %arg5[%gather3A_226] : memref<100000xf32, #tpu.memory_space<vmem>>[vector<16xi32>], vector<16xf32>,
        %add3A_228 = arith.addf %add3A_219, %gather3A_227 : vector<16xf32>
        %scan3A_229 = arith.constant 13 : i32
        %scan3A_230 = arith.addi %scan3A_112, %scan3A_229 : i32
        %add3A_231 = vector.broadcast %mul3A_19 : i32 to vector<16xi32>
        %add3A_232 = arith.addi %add3A_231, %mul3A_9 : vector<16xi32>
        %add3A_233 = vector.broadcast %scan3A_230 : i32 to vector<16xi32>
        %add3A_234 = arith.addi %add3A_232, %add3A_233 : vector<16xi32>
        %gather3A_235 = tpu.vector_load_idx %arg6[%add3A_234] : memref<25600xi32, #tpu.memory_space<vmem>>[vector<16xi32>], vector<16xi32>,
        %gather3A_236 = tpu.vector_load_idx %arg5[%gather3A_235] : memref<100000xf32, #tpu.memory_space<vmem>>[vector<16xi32>], vector<16xf32>,
        %add3A_237 = arith.addf %add3A_228, %gather3A_236 : vector<16xf32>
        %scan3A_238 = arith.constant 14 : i32
        %scan3A_239 = arith.addi %scan3A_112, %scan3A_238 : i32
        %add3A_240 = vector.broadcast %mul3A_19 : i32 to vector<16xi32>
        %add3A_241 = arith.addi %add3A_240, %mul3A_9 : vector<16xi32>
        %add3A_242 = vector.broadcast %scan3A_239 : i32 to vector<16xi32>
        %add3A_243 = arith.addi %add3A_241, %add3A_242 : vector<16xi32>
        %gather3A_244 = tpu.vector_load_idx %arg6[%add3A_243] : memref<25600xi32, #tpu.memory_space<vmem>>[vector<16xi32>], vector<16xi32>,
        %gather3A_245 = tpu.vector_load_idx %arg5[%gather3A_244] : memref<100000xf32, #tpu.memory_space<vmem>>[vector<16xi32>], vector<16xf32>,
        %add3A_246 = arith.addf %add3A_237, %gather3A_245 : vector<16xf32>
        %scan3A_247 = arith.constant 15 : i32
        %scan3A_248 = arith.addi %scan3A_112, %scan3A_247 : i32
        %add3A_249 = vector.broadcast %mul3A_19 : i32 to vector<16xi32>
        %add3A_250 = arith.addi %add3A_249, %mul3A_9 : vector<16xi32>
        %add3A_251 = vector.broadcast %scan3A_248 : i32 to vector<16xi32>
        %add3A_252 = arith.addi %add3A_250, %add3A_251 : vector<16xi32>
        %gather3A_253 = tpu.vector_load_idx %arg6[%add3A_252] : memref<25600xi32, #tpu.memory_space<vmem>>[vector<16xi32>], vector<16xi32>,
        %gather3A_254 = tpu.vector_load_idx %arg5[%gather3A_253] : memref<100000xf32, #tpu.memory_space<vmem>>[vector<16xi32>], vector<16xf32>,
        %add3A_255 = arith.addf %add3A_246, %gather3A_254 : vector<16xf32>
        scf.yield %add3A_255 : vector<16xf32>
      }
      %scan3A_26 = arith.constant 192 : i32
      %scan3A_27 = arith.addi %scan3A_21, %scan3A_26 : i32
      %add3A_28 = vector.broadcast %mul3A_19 : i32 to vector<16xi32>
      %add3A_29 = arith.addi %add3A_28, %mul3A_9 : vector<16xi32>
      %add3A_30 = vector.broadcast %scan3A_27 : i32 to vector<16xi32>
      %add3A_31 = arith.addi %add3A_29, %add3A_30 : vector<16xi32>
      %gather3A = tpu.vector_load_idx %arg6[%add3A_31] : memref<25600xi32, #tpu.memory_space<vmem>>[vector<16xi32>], vector<16xi32>,
      %gather3A_32 = tpu.vector_load_idx %arg5[%gather3A] : memref<100000xf32, #tpu.memory_space<vmem>>[vector<16xi32>], vector<16xf32>,
      %add3A_33 = arith.addf %scan3A_25, %gather3A_32 : vector<16xf32>
      %scan3A_34 = arith.constant 193 : i32
      %scan3A_35 = arith.addi %scan3A_21, %scan3A_34 : i32
      %add3A_36 = vector.broadcast %mul3A_19 : i32 to vector<16xi32>
      %add3A_37 = arith.addi %add3A_36, %mul3A_9 : vector<16xi32>
      %add3A_38 = vector.broadcast %scan3A_35 : i32 to vector<16xi32>
      %add3A_39 = arith.addi %add3A_37, %add3A_38 : vector<16xi32>
      %gather3A_40 = tpu.vector_load_idx %arg6[%add3A_39] : memref<25600xi32, #tpu.memory_space<vmem>>[vector<16xi32>], vector<16xi32>,
      %gather3A_41 = tpu.vector_load_idx %arg5[%gather3A_40] : memref<100000xf32, #tpu.memory_space<vmem>>[vector<16xi32>], vector<16xf32>,
      %add3A_42 = arith.addf %add3A_33, %gather3A_41 : vector<16xf32>
      %scan3A_43 = arith.constant 194 : i32
      %scan3A_44 = arith.addi %scan3A_21, %scan3A_43 : i32
      %add3A_45 = vector.broadcast %mul3A_19 : i32 to vector<16xi32>
      %add3A_46 = arith.addi %add3A_45, %mul3A_9 : vector<16xi32>
      %add3A_47 = vector.broadcast %scan3A_44 : i32 to vector<16xi32>
      %add3A_48 = arith.addi %add3A_46, %add3A_47 : vector<16xi32>
      %gather3A_49 = tpu.vector_load_idx %arg6[%add3A_48] : memref<25600xi32, #tpu.memory_space<vmem>>[vector<16xi32>], vector<16xi32>,
      %gather3A_50 = tpu.vector_load_idx %arg5[%gather3A_49] : memref<100000xf32, #tpu.memory_space<vmem>>[vector<16xi32>], vector<16xf32>,
      %add3A_51 = arith.addf %add3A_42, %gather3A_50 : vector<16xf32>
      %scan3A_52 = arith.constant 195 : i32
      %scan3A_53 = arith.addi %scan3A_21, %scan3A_52 : i32
      %add3A_54 = vector.broadcast %mul3A_19 : i32 to vector<16xi32>
      %add3A_55 = arith.addi %add3A_54, %mul3A_9 : vector<16xi32>
      %add3A_56 = vector.broadcast %scan3A_53 : i32 to vector<16xi32>
      %add3A_57 = arith.addi %add3A_55, %add3A_56 : vector<16xi32>
      %gather3A_58 = tpu.vector_load_idx %arg6[%add3A_57] : memref<25600xi32, #tpu.memory_space<vmem>>[vector<16xi32>], vector<16xi32>,
      %gather3A_59 = tpu.vector_load_idx %arg5[%gather3A_58] : memref<100000xf32, #tpu.memory_space<vmem>>[vector<16xi32>], vector<16xf32>,
      %add3A_60 = arith.addf %add3A_51, %gather3A_59 : vector<16xf32>
      %scan3A_61 = arith.constant 196 : i32
      %scan3A_62 = arith.addi %scan3A_21, %scan3A_61 : i32
      %add3A_63 = vector.broadcast %mul3A_19 : i32 to vector<16xi32>
      %add3A_64 = arith.addi %add3A_63, %mul3A_9 : vector<16xi32>
      %add3A_65 = vector.broadcast %scan3A_62 : i32 to vector<16xi32>
      %add3A_66 = arith.addi %add3A_64, %add3A_65 : vector<16xi32>
      %gather3A_67 = tpu.vector_load_idx %arg6[%add3A_66] : memref<25600xi32, #tpu.memory_space<vmem>>[vector<16xi32>], vector<16xi32>,
      %gather3A_68 = tpu.vector_load_idx %arg5[%gather3A_67] : memref<100000xf32, #tpu.memory_space<vmem>>[vector<16xi32>], vector<16xf32>,
      %add3A_69 = arith.addf %add3A_60, %gather3A_68 : vector<16xf32>
      %scan3A_70 = arith.constant 197 : i32
      %scan3A_71 = arith.addi %scan3A_21, %scan3A_70 : i32
      %add3A_72 = vector.broadcast %mul3A_19 : i32 to vector<16xi32>
      %add3A_73 = arith.addi %add3A_72, %mul3A_9 : vector<16xi32>
      %add3A_74 = vector.broadcast %scan3A_71 : i32 to vector<16xi32>
      %add3A_75 = arith.addi %add3A_73, %add3A_74 : vector<16xi32>
      %gather3A_76 = tpu.vector_load_idx %arg6[%add3A_75] : memref<25600xi32, #tpu.memory_space<vmem>>[vector<16xi32>], vector<16xi32>,
      %gather3A_77 = tpu.vector_load_idx %arg5[%gather3A_76] : memref<100000xf32, #tpu.memory_space<vmem>>[vector<16xi32>], vector<16xf32>,
      %add3A_78 = arith.addf %add3A_69, %gather3A_77 : vector<16xf32>
      %scan3A_79 = arith.constant 198 : i32
      %scan3A_80 = arith.addi %scan3A_21, %scan3A_79 : i32
      %add3A_81 = vector.broadcast %mul3A_19 : i32 to vector<16xi32>
      %add3A_82 = arith.addi %add3A_81, %mul3A_9 : vector<16xi32>
      %add3A_83 = vector.broadcast %scan3A_80 : i32 to vector<16xi32>
      %add3A_84 = arith.addi %add3A_82, %add3A_83 : vector<16xi32>
      %gather3A_85 = tpu.vector_load_idx %arg6[%add3A_84] : memref<25600xi32, #tpu.memory_space<vmem>>[vector<16xi32>], vector<16xi32>,
      %gather3A_86 = tpu.vector_load_idx %arg5[%gather3A_85] : memref<100000xf32, #tpu.memory_space<vmem>>[vector<16xi32>], vector<16xf32>,
      %add3A_87 = arith.addf %add3A_78, %gather3A_86 : vector<16xf32>
      %scan3A_88 = arith.constant 199 : i32
      %scan3A_89 = arith.addi %scan3A_21, %scan3A_88 : i32
      %add3A_90 = vector.broadcast %mul3A_19 : i32 to vector<16xi32>
      %add3A_91 = arith.addi %add3A_90, %mul3A_9 : vector<16xi32>
      %add3A_92 = vector.broadcast %scan3A_89 : i32 to vector<16xi32>
      %add3A_93 = arith.addi %add3A_91, %add3A_92 : vector<16xi32>
      %gather3A_94 = tpu.vector_load_idx %arg6[%add3A_93] : memref<25600xi32, #tpu.memory_space<vmem>>[vector<16xi32>], vector<16xi32>,
      %gather3A_95 = tpu.vector_load_idx %arg5[%gather3A_94] : memref<100000xf32, #tpu.memory_space<vmem>>[vector<16xi32>], vector<16xf32>,
      %add3A_96 = arith.addf %add3A_87, %gather3A_95 : vector<16xf32>
      %scan3A_97 = arith.constant 200 : i32
      %mul3A_98 = arith.constant 5.000000e-03 : f32
      %mul3A_99 = vector.broadcast %mul3A_98 : f32 to vector<16xf32>
      %mul3A_100 = arith.mulf %add3A_96, %mul3A_99 : vector<16xf32>
      %neg3A = arith.constant 0.000000e+00 : f32
      %neg3A_101 = vector.broadcast %neg3A : f32 to vector<16xf32>
      %neg3A_102 = arith.subf %neg3A_101, %mul3A_100 : vector<16xf32>
      %exp3A = math.exp %neg3A_102 : vector<16xf32>
      %add3A_103 = arith.constant 1.000000e+00 : f32
      %add3A_104 = vector.broadcast %add3A_103 : f32 to vector<16xf32>
      %add3A_105 = arith.addf %add3A_104, %exp3A : vector<16xf32>
      %div3A = arith.constant 1.000000e+00 : f32
      %div3A_106 = vector.broadcast %div3A : f32 to vector<16xf32>
      %div3A_107 = arith.divf %div3A_106, %add3A_105 : vector<16xf32>
      %mul3A_108 = arith.constant 16 : i32
      %mul3A_109 = arith.muli %scan3A_16, %mul3A_108 : i32
      %swap3A = arith.index_cast %mul3A_109 : i32 to index
      %swap3A_110 = tpu.vector_load %arg7[%swap3A] {strides = array<i32>} : memref<128xf32, #tpu.memory_space<vmem>>, vector<16xf32>,
      tpu.vector_store %arg7[%swap3A], %div3A_107 {strides = array<i32>} : memref<128xf32, #tpu.memory_space<vmem>>, vector<16xf32>,
      %scan3A_111 = arith.constant 0 : i32
      scf.yield %scan3A_111 : i32
    }
    %scan3A_15 = arith.constant 8 : i32
    "tpu.region"() ({
      %run_scoped3A = tpu.sem_alloc : memref<!tpu.dma_semaphore, #tpu.memory_space<semaphore_mem>>
      %dma_start3A_16 = tpu.memref_slice %arg4[%mul3A_2] : memref<4096xf32, #tpu.memory_space<hbm>> -> memref<128xf32, #tpu.memory_space<hbm>>
      %dma_start3A_17 = tpu.memref_slice %arg4[%mul3A_2] : memref<4096xf32, #tpu.memory_space<hbm>> -> memref<128xf32, #tpu.memory_space<hbm>>
      tpu.enqueue_dma source(%arg7 : memref<128xf32, #tpu.memory_space<vmem>>) target(%dma_start3A_17 : memref<128xf32, #tpu.memory_space<hbm>>) target_semaphore(%run_scoped3A : memref<!tpu.dma_semaphore, #tpu.memory_space<semaphore_mem>>)
      %dma_wait3A_18 = tpu.memref_slice %arg4[%mul3A_2] : memref<4096xf32, #tpu.memory_space<hbm>> -> memref<128xf32, #tpu.memory_space<hbm>>
      %dma_wait3A_19 = tpu.memref_slice %arg4[%mul3A_2] : memref<4096xf32, #tpu.memory_space<hbm>> -> memref<128xf32, #tpu.memory_space<hbm>>
      tpu.wait_dma2 semaphore(%run_scoped3A : memref<!tpu.dma_semaphore, #tpu.memory_space<semaphore_mem>>) src(%arg7 : memref<128xf32, #tpu.memory_space<vmem>>) dst(%dma_wait3A_19 : memref<128xf32, #tpu.memory_space<hbm>>)
      tpu.yield
    }) : () -> ()
    return
  }
}

module attributes {stable_mosaic.version = 14 : i64} {
  func.func @_tc_matvec_body(%arg0: i32, %arg1: memref<10000x128xf32, #tpu.memory_space<vmem>>, %arg2: memref<128x128xf32, #tpu.memory_space<vmem>>, %arg3: memref<128x128xf32, #tpu.memory_space<vmem>>, %arg4: memref<1x1xf32, #tpu.memory_space<smem>>, %arg5: memref<1x1x10000xf32, #tpu.memory_space<vmem>>) attributes {dimension_semantics = [#tpu.dimension_semantics<arbitrary>], iteration_bounds = array<i64: 10>, scalar_prefetch = 0 : i64, scratch_operands = 0 : i64, tpu.core_type = #tpu.core_type<tc>, window_params = [{transform_indices = @transform_0, window_bounds = array<i64: 10000, 128>}, {pipeline_mode = #tpu.pipeline_mode<synchronous>, transform_indices = @transform_1, window_bounds = array<i64: 128, 128>}, {pipeline_mode = #tpu.pipeline_mode<synchronous>, transform_indices = @transform_2, window_bounds = array<i64: 128, 128>}, {transform_indices = @transform_3, window_bounds = array<i64: 1, 1>}, {transform_indices = @transform_4, window_bounds = array<i64: 1, 1, 10000>}]} {
    %get3A = arith.constant 0 : index
    %get3A_0 = arith.constant 0 : index
    %get3A_1 = vector.load %arg1[%get3A, %get3A_0] : memref<10000x128xf32, #tpu.memory_space<vmem>>, vector<10000x128xf32>
    %get3A_2 = arith.constant 0 : index
    %get3A_3 = arith.constant 0 : index
    %get3A_4 = vector.load %arg2[%get3A_2, %get3A_3] : memref<128x128xf32, #tpu.memory_space<vmem>>, vector<128x128xf32>
    %dot_general3A = arith.constant dense<0.000000e+00> : vector<10000x128xf32>
    %dot_general3A_5 = tpu.matmul %get3A_1, %get3A_4, %dot_general3A {dimension_numbers = #tpu.dot_dimension_numbers<[1], [0], [0], [1], [0, 0, 1, 1], [], []>, transpose_lhs_hint = false} : vector<10000x128xf32>, vector<128x128xf32>, vector<10000x128xf32> -> vector<10000x128xf32>
    %get3A_6 = arith.constant 0 : index
    %get3A_7 = arith.constant 0 : index
    %get3A_8 = memref.load %arg4[%get3A_6, %get3A_7] : memref<1x1xf32, #tpu.memory_space<smem>>
    %slice3A = vector.extract_strided_slice %dot_general3A_5 {offsets = [0, 0], sizes = [128, 128], strides = [1, 1]} : vector<10000x128xf32> to vector<128x128xf32>
    %get3A_9 = arith.constant 0 : index
    %get3A_10 = arith.constant 0 : index
    %get3A_11 = vector.load %arg3[%get3A_9, %get3A_10] : memref<128x128xf32, #tpu.memory_space<vmem>>, vector<128x128xf32>
    %mul3A = arith.mulf %slice3A, %get3A_11 : vector<128x128xf32>
    %reduce_sum3A = arith.constant dense<0.000000e+00> : vector<128xf32>
    %reduce_sum3A_12 = vector.multi_reduction <add>, %mul3A, %reduce_sum3A [0] : vector<128x128xf32> to vector<128xf32>
    %add3A = vector.broadcast %get3A_8 : f32 to vector<128xf32>
    %add3A_13 = arith.addf %reduce_sum3A_12, %add3A : vector<128xf32>
    %swap3A = arith.constant 0 : index
    %swap3A_14 = arith.constant 0 : index
    %swap3A_15 = arith.constant 0 : index
    %swap3A_16 = vector.load %arg5[%swap3A, %swap3A_14, %swap3A_15] : memref<1x1x10000xf32, #tpu.memory_space<vmem>>, vector<1x1x128xf32>
    %swap3A_17 = vector.shape_cast %swap3A_16 : vector<1x1x128xf32> to vector<128xf32>
    %swap3A_18 = vector.shape_cast %add3A_13 : vector<128xf32> to vector<1x1x128xf32>
    tpu.vector_store %arg5[%swap3A, %swap3A_14, %swap3A_15], %swap3A_18 {strides = array<i32>} : memref<1x1x10000xf32, #tpu.memory_space<vmem>>, vector<1x1x128xf32>,
    %slice3A_19 = vector.extract_strided_slice %dot_general3A_5 {offsets = [128, 0], sizes = [128, 128], strides = [1, 1]} : vector<10000x128xf32> to vector<128x128xf32>
    %get3A_20 = arith.constant 0 : index
    %get3A_21 = arith.constant 0 : index
    %get3A_22 = vector.load %arg3[%get3A_20, %get3A_21] : memref<128x128xf32, #tpu.memory_space<vmem>>, vector<128x128xf32>
    %mul3A_23 = arith.mulf %slice3A_19, %get3A_22 : vector<128x128xf32>
    %reduce_sum3A_24 = arith.constant dense<0.000000e+00> : vector<128xf32>
    %reduce_sum3A_25 = vector.multi_reduction <add>, %mul3A_23, %reduce_sum3A_24 [0] : vector<128x128xf32> to vector<128xf32>
    %add3A_26 = vector.broadcast %get3A_8 : f32 to vector<128xf32>
    %add3A_27 = arith.addf %reduce_sum3A_25, %add3A_26 : vector<128xf32>
    %swap3A_28 = arith.constant 0 : index
    %swap3A_29 = arith.constant 0 : index
    %swap3A_30 = arith.constant 128 : index
    %swap3A_31 = vector.load %arg5[%swap3A_28, %swap3A_29, %swap3A_30] : memref<1x1x10000xf32, #tpu.memory_space<vmem>>, vector<1x1x128xf32>
    %swap3A_32 = vector.shape_cast %swap3A_31 : vector<1x1x128xf32> to vector<128xf32>
    %swap3A_33 = vector.shape_cast %add3A_27 : vector<128xf32> to vector<1x1x128xf32>
    tpu.vector_store %arg5[%swap3A_28, %swap3A_29, %swap3A_30], %swap3A_33 {strides = array<i32>} : memref<1x1x10000xf32, #tpu.memory_space<vmem>>, vector<1x1x128xf32>,
    %slice3A_34 = vector.extract_strided_slice %dot_general3A_5 {offsets = [256, 0], sizes = [128, 128], strides = [1, 1]} : vector<10000x128xf32> to vector<128x128xf32>
    %get3A_35 = arith.constant 0 : index
    %get3A_36 = arith.constant 0 : index
    %get3A_37 = vector.load %arg3[%get3A_35, %get3A_36] : memref<128x128xf32, #tpu.memory_space<vmem>>, vector<128x128xf32>
    %mul3A_38 = arith.mulf %slice3A_34, %get3A_37 : vector<128x128xf32>
    %reduce_sum3A_39 = arith.constant dense<0.000000e+00> : vector<128xf32>
    %reduce_sum3A_40 = vector.multi_reduction <add>, %mul3A_38, %reduce_sum3A_39 [0] : vector<128x128xf32> to vector<128xf32>
    %add3A_41 = vector.broadcast %get3A_8 : f32 to vector<128xf32>
    %add3A_42 = arith.addf %reduce_sum3A_40, %add3A_41 : vector<128xf32>
    %swap3A_43 = arith.constant 0 : index
    %swap3A_44 = arith.constant 0 : index
    %swap3A_45 = arith.constant 256 : index
    %swap3A_46 = vector.load %arg5[%swap3A_43, %swap3A_44, %swap3A_45] : memref<1x1x10000xf32, #tpu.memory_space<vmem>>, vector<1x1x128xf32>
    %swap3A_47 = vector.shape_cast %swap3A_46 : vector<1x1x128xf32> to vector<128xf32>
    %swap3A_48 = vector.shape_cast %add3A_42 : vector<128xf32> to vector<1x1x128xf32>
    tpu.vector_store %arg5[%swap3A_43, %swap3A_44, %swap3A_45], %swap3A_48 {strides = array<i32>} : memref<1x1x10000xf32, #tpu.memory_space<vmem>>, vector<1x1x128xf32>,
    %slice3A_49 = vector.extract_strided_slice %dot_general3A_5 {offsets = [384, 0], sizes = [128, 128], strides = [1, 1]} : vector<10000x128xf32> to vector<128x128xf32>
    %get3A_50 = arith.constant 0 : index
    %get3A_51 = arith.constant 0 : index
    %get3A_52 = vector.load %arg3[%get3A_50, %get3A_51] : memref<128x128xf32, #tpu.memory_space<vmem>>, vector<128x128xf32>
    %mul3A_53 = arith.mulf %slice3A_49, %get3A_52 : vector<128x128xf32>
    %reduce_sum3A_54 = arith.constant dense<0.000000e+00> : vector<128xf32>
    %reduce_sum3A_55 = vector.multi_reduction <add>, %mul3A_53, %reduce_sum3A_54 [0] : vector<128x128xf32> to vector<128xf32>
    %add3A_56 = vector.broadcast %get3A_8 : f32 to vector<128xf32>
    %add3A_57 = arith.addf %reduce_sum3A_55, %add3A_56 : vector<128xf32>
    %swap3A_58 = arith.constant 0 : index
    %swap3A_59 = arith.constant 0 : index
    %swap3A_60 = arith.constant 384 : index
    %swap3A_61 = vector.load %arg5[%swap3A_58, %swap3A_59, %swap3A_60] : memref<1x1x10000xf32, #tpu.memory_space<vmem>>, vector<1x1x128xf32>
    %swap3A_62 = vector.shape_cast %swap3A_61 : vector<1x1x128xf32> to vector<128xf32>
    %swap3A_63 = vector.shape_cast %add3A_57 : vector<128xf32> to vector<1x1x128xf32>
    tpu.vector_store %arg5[%swap3A_58, %swap3A_59, %swap3A_60], %swap3A_63 {strides = array<i32>} : memref<1x1x10000xf32, #tpu.memory_space<vmem>>, vector<1x1x128xf32>,
    %slice3A_64 = vector.extract_strided_slice %dot_general3A_5 {offsets = [512, 0], sizes = [128, 128], strides = [1, 1]} : vector<10000x128xf32> to vector<128x128xf32>
    %get3A_65 = arith.constant 0 : index
    %get3A_66 = arith.constant 0 : index
    %get3A_67 = vector.load %arg3[%get3A_65, %get3A_66] : memref<128x128xf32, #tpu.memory_space<vmem>>, vector<128x128xf32>
    %mul3A_68 = arith.mulf %slice3A_64, %get3A_67 : vector<128x128xf32>
    %reduce_sum3A_69 = arith.constant dense<0.000000e+00> : vector<128xf32>
    %reduce_sum3A_70 = vector.multi_reduction <add>, %mul3A_68, %reduce_sum3A_69 [0] : vector<128x128xf32> to vector<128xf32>
    %add3A_71 = vector.broadcast %get3A_8 : f32 to vector<128xf32>
    %add3A_72 = arith.addf %reduce_sum3A_70, %add3A_71 : vector<128xf32>
    %swap3A_73 = arith.constant 0 : index
    %swap3A_74 = arith.constant 0 : index
    %swap3A_75 = arith.constant 512 : index
    %swap3A_76 = vector.load %arg5[%swap3A_73, %swap3A_74, %swap3A_75] : memref<1x1x10000xf32, #tpu.memory_space<vmem>>, vector<1x1x128xf32>
    %swap3A_77 = vector.shape_cast %swap3A_76 : vector<1x1x128xf32> to vector<128xf32>
    %swap3A_78 = vector.shape_cast %add3A_72 : vector<128xf32> to vector<1x1x128xf32>
    tpu.vector_store %arg5[%swap3A_73, %swap3A_74, %swap3A_75], %swap3A_78 {strides = array<i32>} : memref<1x1x10000xf32, #tpu.memory_space<vmem>>, vector<1x1x128xf32>,
    %slice3A_79 = vector.extract_strided_slice %dot_general3A_5 {offsets = [640, 0], sizes = [128, 128], strides = [1, 1]} : vector<10000x128xf32> to vector<128x128xf32>
    %get3A_80 = arith.constant 0 : index
    %get3A_81 = arith.constant 0 : index
    %get3A_82 = vector.load %arg3[%get3A_80, %get3A_81] : memref<128x128xf32, #tpu.memory_space<vmem>>, vector<128x128xf32>
    %mul3A_83 = arith.mulf %slice3A_79, %get3A_82 : vector<128x128xf32>
    %reduce_sum3A_84 = arith.constant dense<0.000000e+00> : vector<128xf32>
    %reduce_sum3A_85 = vector.multi_reduction <add>, %mul3A_83, %reduce_sum3A_84 [0] : vector<128x128xf32> to vector<128xf32>
    %add3A_86 = vector.broadcast %get3A_8 : f32 to vector<128xf32>
    %add3A_87 = arith.addf %reduce_sum3A_85, %add3A_86 : vector<128xf32>
    %swap3A_88 = arith.constant 0 : index
    %swap3A_89 = arith.constant 0 : index
    %swap3A_90 = arith.constant 640 : index
    %swap3A_91 = vector.load %arg5[%swap3A_88, %swap3A_89, %swap3A_90] : memref<1x1x10000xf32, #tpu.memory_space<vmem>>, vector<1x1x128xf32>
    %swap3A_92 = vector.shape_cast %swap3A_91 : vector<1x1x128xf32> to vector<128xf32>
    %swap3A_93 = vector.shape_cast %add3A_87 : vector<128xf32> to vector<1x1x128xf32>
    tpu.vector_store %arg5[%swap3A_88, %swap3A_89, %swap3A_90], %swap3A_93 {strides = array<i32>} : memref<1x1x10000xf32, #tpu.memory_space<vmem>>, vector<1x1x128xf32>,
    %slice3A_94 = vector.extract_strided_slice %dot_general3A_5 {offsets = [768, 0], sizes = [128, 128], strides = [1, 1]} : vector<10000x128xf32> to vector<128x128xf32>
    %get3A_95 = arith.constant 0 : index
    %get3A_96 = arith.constant 0 : index
    %get3A_97 = vector.load %arg3[%get3A_95, %get3A_96] : memref<128x128xf32, #tpu.memory_space<vmem>>, vector<128x128xf32>
    %mul3A_98 = arith.mulf %slice3A_94, %get3A_97 : vector<128x128xf32>
    %reduce_sum3A_99 = arith.constant dense<0.000000e+00> : vector<128xf32>
    %reduce_sum3A_100 = vector.multi_reduction <add>, %mul3A_98, %reduce_sum3A_99 [0] : vector<128x128xf32> to vector<128xf32>
    %add3A_101 = vector.broadcast %get3A_8 : f32 to vector<128xf32>
    %add3A_102 = arith.addf %reduce_sum3A_100, %add3A_101 : vector<128xf32>
    %swap3A_103 = arith.constant 0 : index
    %swap3A_104 = arith.constant 0 : index
    %swap3A_105 = arith.constant 768 : index
    %swap3A_106 = vector.load %arg5[%swap3A_103, %swap3A_104, %swap3A_105] : memref<1x1x10000xf32, #tpu.memory_space<vmem>>, vector<1x1x128xf32>
    %swap3A_107 = vector.shape_cast %swap3A_106 : vector<1x1x128xf32> to vector<128xf32>
    %swap3A_108 = vector.shape_cast %add3A_102 : vector<128xf32> to vector<1x1x128xf32>
    tpu.vector_store %arg5[%swap3A_103, %swap3A_104, %swap3A_105], %swap3A_108 {strides = array<i32>} : memref<1x1x10000xf32, #tpu.memory_space<vmem>>, vector<1x1x128xf32>,
    %slice3A_109 = vector.extract_strided_slice %dot_general3A_5 {offsets = [896, 0], sizes = [128, 128], strides = [1, 1]} : vector<10000x128xf32> to vector<128x128xf32>
    %get3A_110 = arith.constant 0 : index
    %get3A_111 = arith.constant 0 : index
    %get3A_112 = vector.load %arg3[%get3A_110, %get3A_111] : memref<128x128xf32, #tpu.memory_space<vmem>>, vector<128x128xf32>
    %mul3A_113 = arith.mulf %slice3A_109, %get3A_112 : vector<128x128xf32>
    %reduce_sum3A_114 = arith.constant dense<0.000000e+00> : vector<128xf32>
    %reduce_sum3A_115 = vector.multi_reduction <add>, %mul3A_113, %reduce_sum3A_114 [0] : vector<128x128xf32> to vector<128xf32>
    %add3A_116 = vector.broadcast %get3A_8 : f32 to vector<128xf32>
    %add3A_117 = arith.addf %reduce_sum3A_115, %add3A_116 : vector<128xf32>
    %swap3A_118 = arith.constant 0 : index
    %swap3A_119 = arith.constant 0 : index
    %swap3A_120 = arith.constant 896 : index
    %swap3A_121 = vector.load %arg5[%swap3A_118, %swap3A_119, %swap3A_120] : memref<1x1x10000xf32, #tpu.memory_space<vmem>>, vector<1x1x128xf32>
    %swap3A_122 = vector.shape_cast %swap3A_121 : vector<1x1x128xf32> to vector<128xf32>
    %swap3A_123 = vector.shape_cast %add3A_117 : vector<128xf32> to vector<1x1x128xf32>
    tpu.vector_store %arg5[%swap3A_118, %swap3A_119, %swap3A_120], %swap3A_123 {strides = array<i32>} : memref<1x1x10000xf32, #tpu.memory_space<vmem>>, vector<1x1x128xf32>,
    %slice3A_124 = vector.extract_strided_slice %dot_general3A_5 {offsets = [1024, 0], sizes = [128, 128], strides = [1, 1]} : vector<10000x128xf32> to vector<128x128xf32>
    %get3A_125 = arith.constant 0 : index
    %get3A_126 = arith.constant 0 : index
    %get3A_127 = vector.load %arg3[%get3A_125, %get3A_126] : memref<128x128xf32, #tpu.memory_space<vmem>>, vector<128x128xf32>
    %mul3A_128 = arith.mulf %slice3A_124, %get3A_127 : vector<128x128xf32>
    %reduce_sum3A_129 = arith.constant dense<0.000000e+00> : vector<128xf32>
    %reduce_sum3A_130 = vector.multi_reduction <add>, %mul3A_128, %reduce_sum3A_129 [0] : vector<128x128xf32> to vector<128xf32>
    %add3A_131 = vector.broadcast %get3A_8 : f32 to vector<128xf32>
    %add3A_132 = arith.addf %reduce_sum3A_130, %add3A_131 : vector<128xf32>
    %swap3A_133 = arith.constant 0 : index
    %swap3A_134 = arith.constant 0 : index
    %swap3A_135 = arith.constant 1024 : index
    %swap3A_136 = vector.load %arg5[%swap3A_133, %swap3A_134, %swap3A_135] : memref<1x1x10000xf32, #tpu.memory_space<vmem>>, vector<1x1x128xf32>
    %swap3A_137 = vector.shape_cast %swap3A_136 : vector<1x1x128xf32> to vector<128xf32>
    %swap3A_138 = vector.shape_cast %add3A_132 : vector<128xf32> to vector<1x1x128xf32>
    tpu.vector_store %arg5[%swap3A_133, %swap3A_134, %swap3A_135], %swap3A_138 {strides = array<i32>} : memref<1x1x10000xf32, #tpu.memory_space<vmem>>, vector<1x1x128xf32>,
    %slice3A_139 = vector.extract_strided_slice %dot_general3A_5 {offsets = [1152, 0], sizes = [128, 128], strides = [1, 1]} : vector<10000x128xf32> to vector<128x128xf32>
    %get3A_140 = arith.constant 0 : index
    %get3A_141 = arith.constant 0 : index
    %get3A_142 = vector.load %arg3[%get3A_140, %get3A_141] : memref<128x128xf32, #tpu.memory_space<vmem>>, vector<128x128xf32>
    %mul3A_143 = arith.mulf %slice3A_139, %get3A_142 : vector<128x128xf32>
    %reduce_sum3A_144 = arith.constant dense<0.000000e+00> : vector<128xf32>
    %reduce_sum3A_145 = vector.multi_reduction <add>, %mul3A_143, %reduce_sum3A_144 [0] : vector<128x128xf32> to vector<128xf32>
    %add3A_146 = vector.broadcast %get3A_8 : f32 to vector<128xf32>
    %add3A_147 = arith.addf %reduce_sum3A_145, %add3A_146 : vector<128xf32>
    %swap3A_148 = arith.constant 0 : index
    %swap3A_149 = arith.constant 0 : index
    %swap3A_150 = arith.constant 1152 : index
    %swap3A_151 = vector.load %arg5[%swap3A_148, %swap3A_149, %swap3A_150] : memref<1x1x10000xf32, #tpu.memory_space<vmem>>, vector<1x1x128xf32>
    %swap3A_152 = vector.shape_cast %swap3A_151 : vector<1x1x128xf32> to vector<128xf32>
    %swap3A_153 = vector.shape_cast %add3A_147 : vector<128xf32> to vector<1x1x128xf32>
    tpu.vector_store %arg5[%swap3A_148, %swap3A_149, %swap3A_150], %swap3A_153 {strides = array<i32>} : memref<1x1x10000xf32, #tpu.memory_space<vmem>>, vector<1x1x128xf32>,
    %slice3A_154 = vector.extract_strided_slice %dot_general3A_5 {offsets = [1280, 0], sizes = [128, 128], strides = [1, 1]} : vector<10000x128xf32> to vector<128x128xf32>
    %get3A_155 = arith.constant 0 : index
    %get3A_156 = arith.constant 0 : index
    %get3A_157 = vector.load %arg3[%get3A_155, %get3A_156] : memref<128x128xf32, #tpu.memory_space<vmem>>, vector<128x128xf32>
    %mul3A_158 = arith.mulf %slice3A_154, %get3A_157 : vector<128x128xf32>
    %reduce_sum3A_159 = arith.constant dense<0.000000e+00> : vector<128xf32>
    %reduce_sum3A_160 = vector.multi_reduction <add>, %mul3A_158, %reduce_sum3A_159 [0] : vector<128x128xf32> to vector<128xf32>
    %add3A_161 = vector.broadcast %get3A_8 : f32 to vector<128xf32>
    %add3A_162 = arith.addf %reduce_sum3A_160, %add3A_161 : vector<128xf32>
    %swap3A_163 = arith.constant 0 : index
    %swap3A_164 = arith.constant 0 : index
    %swap3A_165 = arith.constant 1280 : index
    %swap3A_166 = vector.load %arg5[%swap3A_163, %swap3A_164, %swap3A_165] : memref<1x1x10000xf32, #tpu.memory_space<vmem>>, vector<1x1x128xf32>
    %swap3A_167 = vector.shape_cast %swap3A_166 : vector<1x1x128xf32> to vector<128xf32>
    %swap3A_168 = vector.shape_cast %add3A_162 : vector<128xf32> to vector<1x1x128xf32>
    tpu.vector_store %arg5[%swap3A_163, %swap3A_164, %swap3A_165], %swap3A_168 {strides = array<i32>} : memref<1x1x10000xf32, #tpu.memory_space<vmem>>, vector<1x1x128xf32>,
    %slice3A_169 = vector.extract_strided_slice %dot_general3A_5 {offsets = [1408, 0], sizes = [128, 128], strides = [1, 1]} : vector<10000x128xf32> to vector<128x128xf32>
    %get3A_170 = arith.constant 0 : index
    %get3A_171 = arith.constant 0 : index
    %get3A_172 = vector.load %arg3[%get3A_170, %get3A_171] : memref<128x128xf32, #tpu.memory_space<vmem>>, vector<128x128xf32>
    %mul3A_173 = arith.mulf %slice3A_169, %get3A_172 : vector<128x128xf32>
    %reduce_sum3A_174 = arith.constant dense<0.000000e+00> : vector<128xf32>
    %reduce_sum3A_175 = vector.multi_reduction <add>, %mul3A_173, %reduce_sum3A_174 [0] : vector<128x128xf32> to vector<128xf32>
    %add3A_176 = vector.broadcast %get3A_8 : f32 to vector<128xf32>
    %add3A_177 = arith.addf %reduce_sum3A_175, %add3A_176 : vector<128xf32>
    %swap3A_178 = arith.constant 0 : index
    %swap3A_179 = arith.constant 0 : index
    %swap3A_180 = arith.constant 1408 : index
    %swap3A_181 = vector.load %arg5[%swap3A_178, %swap3A_179, %swap3A_180] : memref<1x1x10000xf32, #tpu.memory_space<vmem>>, vector<1x1x128xf32>
    %swap3A_182 = vector.shape_cast %swap3A_181 : vector<1x1x128xf32> to vector<128xf32>
    %swap3A_183 = vector.shape_cast %add3A_177 : vector<128xf32> to vector<1x1x128xf32>
    tpu.vector_store %arg5[%swap3A_178, %swap3A_179, %swap3A_180], %swap3A_183 {strides = array<i32>} : memref<1x1x10000xf32, #tpu.memory_space<vmem>>, vector<1x1x128xf32>,
    %slice3A_184 = vector.extract_strided_slice %dot_general3A_5 {offsets = [1536, 0], sizes = [128, 128], strides = [1, 1]} : vector<10000x128xf32> to vector<128x128xf32>
    %get3A_185 = arith.constant 0 : index
    %get3A_186 = arith.constant 0 : index
    %get3A_187 = vector.load %arg3[%get3A_185, %get3A_186] : memref<128x128xf32, #tpu.memory_space<vmem>>, vector<128x128xf32>
    %mul3A_188 = arith.mulf %slice3A_184, %get3A_187 : vector<128x128xf32>
    %reduce_sum3A_189 = arith.constant dense<0.000000e+00> : vector<128xf32>
    %reduce_sum3A_190 = vector.multi_reduction <add>, %mul3A_188, %reduce_sum3A_189 [0] : vector<128x128xf32> to vector<128xf32>
    %add3A_191 = vector.broadcast %get3A_8 : f32 to vector<128xf32>
    %add3A_192 = arith.addf %reduce_sum3A_190, %add3A_191 : vector<128xf32>
    %swap3A_193 = arith.constant 0 : index
    %swap3A_194 = arith.constant 0 : index
    %swap3A_195 = arith.constant 1536 : index
    %swap3A_196 = vector.load %arg5[%swap3A_193, %swap3A_194, %swap3A_195] : memref<1x1x10000xf32, #tpu.memory_space<vmem>>, vector<1x1x128xf32>
    %swap3A_197 = vector.shape_cast %swap3A_196 : vector<1x1x128xf32> to vector<128xf32>
    %swap3A_198 = vector.shape_cast %add3A_192 : vector<128xf32> to vector<1x1x128xf32>
    tpu.vector_store %arg5[%swap3A_193, %swap3A_194, %swap3A_195], %swap3A_198 {strides = array<i32>} : memref<1x1x10000xf32, #tpu.memory_space<vmem>>, vector<1x1x128xf32>,
    %slice3A_199 = vector.extract_strided_slice %dot_general3A_5 {offsets = [1664, 0], sizes = [128, 128], strides = [1, 1]} : vector<10000x128xf32> to vector<128x128xf32>
    %get3A_200 = arith.constant 0 : index
    %get3A_201 = arith.constant 0 : index
    %get3A_202 = vector.load %arg3[%get3A_200, %get3A_201] : memref<128x128xf32, #tpu.memory_space<vmem>>, vector<128x128xf32>
    %mul3A_203 = arith.mulf %slice3A_199, %get3A_202 : vector<128x128xf32>
    %reduce_sum3A_204 = arith.constant dense<0.000000e+00> : vector<128xf32>
    %reduce_sum3A_205 = vector.multi_reduction <add>, %mul3A_203, %reduce_sum3A_204 [0] : vector<128x128xf32> to vector<128xf32>
    %add3A_206 = vector.broadcast %get3A_8 : f32 to vector<128xf32>
    %add3A_207 = arith.addf %reduce_sum3A_205, %add3A_206 : vector<128xf32>
    %swap3A_208 = arith.constant 0 : index
    %swap3A_209 = arith.constant 0 : index
    %swap3A_210 = arith.constant 1664 : index
    %swap3A_211 = vector.load %arg5[%swap3A_208, %swap3A_209, %swap3A_210] : memref<1x1x10000xf32, #tpu.memory_space<vmem>>, vector<1x1x128xf32>
    %swap3A_212 = vector.shape_cast %swap3A_211 : vector<1x1x128xf32> to vector<128xf32>
    %swap3A_213 = vector.shape_cast %add3A_207 : vector<128xf32> to vector<1x1x128xf32>
    tpu.vector_store %arg5[%swap3A_208, %swap3A_209, %swap3A_210], %swap3A_213 {strides = array<i32>} : memref<1x1x10000xf32, #tpu.memory_space<vmem>>, vector<1x1x128xf32>,
    %slice3A_214 = vector.extract_strided_slice %dot_general3A_5 {offsets = [1792, 0], sizes = [128, 128], strides = [1, 1]} : vector<10000x128xf32> to vector<128x128xf32>
    %get3A_215 = arith.constant 0 : index
    %get3A_216 = arith.constant 0 : index
    %get3A_217 = vector.load %arg3[%get3A_215, %get3A_216] : memref<128x128xf32, #tpu.memory_space<vmem>>, vector<128x128xf32>
    %mul3A_218 = arith.mulf %slice3A_214, %get3A_217 : vector<128x128xf32>
    %reduce_sum3A_219 = arith.constant dense<0.000000e+00> : vector<128xf32>
    %reduce_sum3A_220 = vector.multi_reduction <add>, %mul3A_218, %reduce_sum3A_219 [0] : vector<128x128xf32> to vector<128xf32>
    %add3A_221 = vector.broadcast %get3A_8 : f32 to vector<128xf32>
    %add3A_222 = arith.addf %reduce_sum3A_220, %add3A_221 : vector<128xf32>
    %swap3A_223 = arith.constant 0 : index
    %swap3A_224 = arith.constant 0 : index
    %swap3A_225 = arith.constant 1792 : index
    %swap3A_226 = vector.load %arg5[%swap3A_223, %swap3A_224, %swap3A_225] : memref<1x1x10000xf32, #tpu.memory_space<vmem>>, vector<1x1x128xf32>
    %swap3A_227 = vector.shape_cast %swap3A_226 : vector<1x1x128xf32> to vector<128xf32>
    %swap3A_228 = vector.shape_cast %add3A_222 : vector<128xf32> to vector<1x1x128xf32>
    tpu.vector_store %arg5[%swap3A_223, %swap3A_224, %swap3A_225], %swap3A_228 {strides = array<i32>} : memref<1x1x10000xf32, #tpu.memory_space<vmem>>, vector<1x1x128xf32>,
    %slice3A_229 = vector.extract_strided_slice %dot_general3A_5 {offsets = [1920, 0], sizes = [128, 128], strides = [1, 1]} : vector<10000x128xf32> to vector<128x128xf32>
    %get3A_230 = arith.constant 0 : index
    %get3A_231 = arith.constant 0 : index
    %get3A_232 = vector.load %arg3[%get3A_230, %get3A_231] : memref<128x128xf32, #tpu.memory_space<vmem>>, vector<128x128xf32>
    %mul3A_233 = arith.mulf %slice3A_229, %get3A_232 : vector<128x128xf32>
    %reduce_sum3A_234 = arith.constant dense<0.000000e+00> : vector<128xf32>
    %reduce_sum3A_235 = vector.multi_reduction <add>, %mul3A_233, %reduce_sum3A_234 [0] : vector<128x128xf32> to vector<128xf32>
    %add3A_236 = vector.broadcast %get3A_8 : f32 to vector<128xf32>
    %add3A_237 = arith.addf %reduce_sum3A_235, %add3A_236 : vector<128xf32>
    %swap3A_238 = arith.constant 0 : index
    %swap3A_239 = arith.constant 0 : index
    %swap3A_240 = arith.constant 1920 : index
    %swap3A_241 = vector.load %arg5[%swap3A_238, %swap3A_239, %swap3A_240] : memref<1x1x10000xf32, #tpu.memory_space<vmem>>, vector<1x1x128xf32>
    %swap3A_242 = vector.shape_cast %swap3A_241 : vector<1x1x128xf32> to vector<128xf32>
    %swap3A_243 = vector.shape_cast %add3A_237 : vector<128xf32> to vector<1x1x128xf32>
    tpu.vector_store %arg5[%swap3A_238, %swap3A_239, %swap3A_240], %swap3A_243 {strides = array<i32>} : memref<1x1x10000xf32, #tpu.memory_space<vmem>>, vector<1x1x128xf32>,
    %slice3A_244 = vector.extract_strided_slice %dot_general3A_5 {offsets = [2048, 0], sizes = [128, 128], strides = [1, 1]} : vector<10000x128xf32> to vector<128x128xf32>
    %get3A_245 = arith.constant 0 : index
    %get3A_246 = arith.constant 0 : index
    %get3A_247 = vector.load %arg3[%get3A_245, %get3A_246] : memref<128x128xf32, #tpu.memory_space<vmem>>, vector<128x128xf32>
    %mul3A_248 = arith.mulf %slice3A_244, %get3A_247 : vector<128x128xf32>
    %reduce_sum3A_249 = arith.constant dense<0.000000e+00> : vector<128xf32>
    %reduce_sum3A_250 = vector.multi_reduction <add>, %mul3A_248, %reduce_sum3A_249 [0] : vector<128x128xf32> to vector<128xf32>
    %add3A_251 = vector.broadcast %get3A_8 : f32 to vector<128xf32>
    %add3A_252 = arith.addf %reduce_sum3A_250, %add3A_251 : vector<128xf32>
    %swap3A_253 = arith.constant 0 : index
    %swap3A_254 = arith.constant 0 : index
    %swap3A_255 = arith.constant 2048 : index
    %swap3A_256 = vector.load %arg5[%swap3A_253, %swap3A_254, %swap3A_255] : memref<1x1x10000xf32, #tpu.memory_space<vmem>>, vector<1x1x128xf32>
    %swap3A_257 = vector.shape_cast %swap3A_256 : vector<1x1x128xf32> to vector<128xf32>
    %swap3A_258 = vector.shape_cast %add3A_252 : vector<128xf32> to vector<1x1x128xf32>
    tpu.vector_store %arg5[%swap3A_253, %swap3A_254, %swap3A_255], %swap3A_258 {strides = array<i32>} : memref<1x1x10000xf32, #tpu.memory_space<vmem>>, vector<1x1x128xf32>,
    %slice3A_259 = vector.extract_strided_slice %dot_general3A_5 {offsets = [2176, 0], sizes = [128, 128], strides = [1, 1]} : vector<10000x128xf32> to vector<128x128xf32>
    %get3A_260 = arith.constant 0 : index
    %get3A_261 = arith.constant 0 : index
    %get3A_262 = vector.load %arg3[%get3A_260, %get3A_261] : memref<128x128xf32, #tpu.memory_space<vmem>>, vector<128x128xf32>
    %mul3A_263 = arith.mulf %slice3A_259, %get3A_262 : vector<128x128xf32>
    %reduce_sum3A_264 = arith.constant dense<0.000000e+00> : vector<128xf32>
    %reduce_sum3A_265 = vector.multi_reduction <add>, %mul3A_263, %reduce_sum3A_264 [0] : vector<128x128xf32> to vector<128xf32>
    %add3A_266 = vector.broadcast %get3A_8 : f32 to vector<128xf32>
    %add3A_267 = arith.addf %reduce_sum3A_265, %add3A_266 : vector<128xf32>
    %swap3A_268 = arith.constant 0 : index
    %swap3A_269 = arith.constant 0 : index
    %swap3A_270 = arith.constant 2176 : index
    %swap3A_271 = vector.load %arg5[%swap3A_268, %swap3A_269, %swap3A_270] : memref<1x1x10000xf32, #tpu.memory_space<vmem>>, vector<1x1x128xf32>
    %swap3A_272 = vector.shape_cast %swap3A_271 : vector<1x1x128xf32> to vector<128xf32>
    %swap3A_273 = vector.shape_cast %add3A_267 : vector<128xf32> to vector<1x1x128xf32>
    tpu.vector_store %arg5[%swap3A_268, %swap3A_269, %swap3A_270], %swap3A_273 {strides = array<i32>} : memref<1x1x10000xf32, #tpu.memory_space<vmem>>, vector<1x1x128xf32>,
    %slice3A_274 = vector.extract_strided_slice %dot_general3A_5 {offsets = [2304, 0], sizes = [128, 128], strides = [1, 1]} : vector<10000x128xf32> to vector<128x128xf32>
    %get3A_275 = arith.constant 0 : index
    %get3A_276 = arith.constant 0 : index
    %get3A_277 = vector.load %arg3[%get3A_275, %get3A_276] : memref<128x128xf32, #tpu.memory_space<vmem>>, vector<128x128xf32>
    %mul3A_278 = arith.mulf %slice3A_274, %get3A_277 : vector<128x128xf32>
    %reduce_sum3A_279 = arith.constant dense<0.000000e+00> : vector<128xf32>
    %reduce_sum3A_280 = vector.multi_reduction <add>, %mul3A_278, %reduce_sum3A_279 [0] : vector<128x128xf32> to vector<128xf32>
    %add3A_281 = vector.broadcast %get3A_8 : f32 to vector<128xf32>
    %add3A_282 = arith.addf %reduce_sum3A_280, %add3A_281 : vector<128xf32>
    %swap3A_283 = arith.constant 0 : index
    %swap3A_284 = arith.constant 0 : index
    %swap3A_285 = arith.constant 2304 : index
    %swap3A_286 = vector.load %arg5[%swap3A_283, %swap3A_284, %swap3A_285] : memref<1x1x10000xf32, #tpu.memory_space<vmem>>, vector<1x1x128xf32>
    %swap3A_287 = vector.shape_cast %swap3A_286 : vector<1x1x128xf32> to vector<128xf32>
    %swap3A_288 = vector.shape_cast %add3A_282 : vector<128xf32> to vector<1x1x128xf32>
    tpu.vector_store %arg5[%swap3A_283, %swap3A_284, %swap3A_285], %swap3A_288 {strides = array<i32>} : memref<1x1x10000xf32, #tpu.memory_space<vmem>>, vector<1x1x128xf32>,
    %slice3A_289 = vector.extract_strided_slice %dot_general3A_5 {offsets = [2432, 0], sizes = [128, 128], strides = [1, 1]} : vector<10000x128xf32> to vector<128x128xf32>
    %get3A_290 = arith.constant 0 : index
    %get3A_291 = arith.constant 0 : index
    %get3A_292 = vector.load %arg3[%get3A_290, %get3A_291] : memref<128x128xf32, #tpu.memory_space<vmem>>, vector<128x128xf32>
    %mul3A_293 = arith.mulf %slice3A_289, %get3A_292 : vector<128x128xf32>
    %reduce_sum3A_294 = arith.constant dense<0.000000e+00> : vector<128xf32>
    %reduce_sum3A_295 = vector.multi_reduction <add>, %mul3A_293, %reduce_sum3A_294 [0] : vector<128x128xf32> to vector<128xf32>
    %add3A_296 = vector.broadcast %get3A_8 : f32 to vector<128xf32>
    %add3A_297 = arith.addf %reduce_sum3A_295, %add3A_296 : vector<128xf32>
    %swap3A_298 = arith.constant 0 : index
    %swap3A_299 = arith.constant 0 : index
    %swap3A_300 = arith.constant 2432 : index
    %swap3A_301 = vector.load %arg5[%swap3A_298, %swap3A_299, %swap3A_300] : memref<1x1x10000xf32, #tpu.memory_space<vmem>>, vector<1x1x128xf32>
    %swap3A_302 = vector.shape_cast %swap3A_301 : vector<1x1x128xf32> to vector<128xf32>
    %swap3A_303 = vector.shape_cast %add3A_297 : vector<128xf32> to vector<1x1x128xf32>
    tpu.vector_store %arg5[%swap3A_298, %swap3A_299, %swap3A_300], %swap3A_303 {strides = array<i32>} : memref<1x1x10000xf32, #tpu.memory_space<vmem>>, vector<1x1x128xf32>,
    %slice3A_304 = vector.extract_strided_slice %dot_general3A_5 {offsets = [2560, 0], sizes = [128, 128], strides = [1, 1]} : vector<10000x128xf32> to vector<128x128xf32>
    %get3A_305 = arith.constant 0 : index
    %get3A_306 = arith.constant 0 : index
    %get3A_307 = vector.load %arg3[%get3A_305, %get3A_306] : memref<128x128xf32, #tpu.memory_space<vmem>>, vector<128x128xf32>
    %mul3A_308 = arith.mulf %slice3A_304, %get3A_307 : vector<128x128xf32>
    %reduce_sum3A_309 = arith.constant dense<0.000000e+00> : vector<128xf32>
    %reduce_sum3A_310 = vector.multi_reduction <add>, %mul3A_308, %reduce_sum3A_309 [0] : vector<128x128xf32> to vector<128xf32>
    %add3A_311 = vector.broadcast %get3A_8 : f32 to vector<128xf32>
    %add3A_312 = arith.addf %reduce_sum3A_310, %add3A_311 : vector<128xf32>
    %swap3A_313 = arith.constant 0 : index
    %swap3A_314 = arith.constant 0 : index
    %swap3A_315 = arith.constant 2560 : index
    %swap3A_316 = vector.load %arg5[%swap3A_313, %swap3A_314, %swap3A_315] : memref<1x1x10000xf32, #tpu.memory_space<vmem>>, vector<1x1x128xf32>
    %swap3A_317 = vector.shape_cast %swap3A_316 : vector<1x1x128xf32> to vector<128xf32>
    %swap3A_318 = vector.shape_cast %add3A_312 : vector<128xf32> to vector<1x1x128xf32>
    tpu.vector_store %arg5[%swap3A_313, %swap3A_314, %swap3A_315], %swap3A_318 {strides = array<i32>} : memref<1x1x10000xf32, #tpu.memory_space<vmem>>, vector<1x1x128xf32>,
    %slice3A_319 = vector.extract_strided_slice %dot_general3A_5 {offsets = [2688, 0], sizes = [128, 128], strides = [1, 1]} : vector<10000x128xf32> to vector<128x128xf32>
    %get3A_320 = arith.constant 0 : index
    %get3A_321 = arith.constant 0 : index
    %get3A_322 = vector.load %arg3[%get3A_320, %get3A_321] : memref<128x128xf32, #tpu.memory_space<vmem>>, vector<128x128xf32>
    %mul3A_323 = arith.mulf %slice3A_319, %get3A_322 : vector<128x128xf32>
    %reduce_sum3A_324 = arith.constant dense<0.000000e+00> : vector<128xf32>
    %reduce_sum3A_325 = vector.multi_reduction <add>, %mul3A_323, %reduce_sum3A_324 [0] : vector<128x128xf32> to vector<128xf32>
    %add3A_326 = vector.broadcast %get3A_8 : f32 to vector<128xf32>
    %add3A_327 = arith.addf %reduce_sum3A_325, %add3A_326 : vector<128xf32>
    %swap3A_328 = arith.constant 0 : index
    %swap3A_329 = arith.constant 0 : index
    %swap3A_330 = arith.constant 2688 : index
    %swap3A_331 = vector.load %arg5[%swap3A_328, %swap3A_329, %swap3A_330] : memref<1x1x10000xf32, #tpu.memory_space<vmem>>, vector<1x1x128xf32>
    %swap3A_332 = vector.shape_cast %swap3A_331 : vector<1x1x128xf32> to vector<128xf32>
    %swap3A_333 = vector.shape_cast %add3A_327 : vector<128xf32> to vector<1x1x128xf32>
    tpu.vector_store %arg5[%swap3A_328, %swap3A_329, %swap3A_330], %swap3A_333 {strides = array<i32>} : memref<1x1x10000xf32, #tpu.memory_space<vmem>>, vector<1x1x128xf32>,
    %slice3A_334 = vector.extract_strided_slice %dot_general3A_5 {offsets = [2816, 0], sizes = [128, 128], strides = [1, 1]} : vector<10000x128xf32> to vector<128x128xf32>
    %get3A_335 = arith.constant 0 : index
    %get3A_336 = arith.constant 0 : index
    %get3A_337 = vector.load %arg3[%get3A_335, %get3A_336] : memref<128x128xf32, #tpu.memory_space<vmem>>, vector<128x128xf32>
    %mul3A_338 = arith.mulf %slice3A_334, %get3A_337 : vector<128x128xf32>
    %reduce_sum3A_339 = arith.constant dense<0.000000e+00> : vector<128xf32>
    %reduce_sum3A_340 = vector.multi_reduction <add>, %mul3A_338, %reduce_sum3A_339 [0] : vector<128x128xf32> to vector<128xf32>
    %add3A_341 = vector.broadcast %get3A_8 : f32 to vector<128xf32>
    %add3A_342 = arith.addf %reduce_sum3A_340, %add3A_341 : vector<128xf32>
    %swap3A_343 = arith.constant 0 : index
    %swap3A_344 = arith.constant 0 : index
    %swap3A_345 = arith.constant 2816 : index
    %swap3A_346 = vector.load %arg5[%swap3A_343, %swap3A_344, %swap3A_345] : memref<1x1x10000xf32, #tpu.memory_space<vmem>>, vector<1x1x128xf32>
    %swap3A_347 = vector.shape_cast %swap3A_346 : vector<1x1x128xf32> to vector<128xf32>
    %swap3A_348 = vector.shape_cast %add3A_342 : vector<128xf32> to vector<1x1x128xf32>
    tpu.vector_store %arg5[%swap3A_343, %swap3A_344, %swap3A_345], %swap3A_348 {strides = array<i32>} : memref<1x1x10000xf32, #tpu.memory_space<vmem>>, vector<1x1x128xf32>,
    %slice3A_349 = vector.extract_strided_slice %dot_general3A_5 {offsets = [2944, 0], sizes = [128, 128], strides = [1, 1]} : vector<10000x128xf32> to vector<128x128xf32>
    %get3A_350 = arith.constant 0 : index
    %get3A_351 = arith.constant 0 : index
    %get3A_352 = vector.load %arg3[%get3A_350, %get3A_351] : memref<128x128xf32, #tpu.memory_space<vmem>>, vector<128x128xf32>
    %mul3A_353 = arith.mulf %slice3A_349, %get3A_352 : vector<128x128xf32>
    %reduce_sum3A_354 = arith.constant dense<0.000000e+00> : vector<128xf32>
    %reduce_sum3A_355 = vector.multi_reduction <add>, %mul3A_353, %reduce_sum3A_354 [0] : vector<128x128xf32> to vector<128xf32>
    %add3A_356 = vector.broadcast %get3A_8 : f32 to vector<128xf32>
    %add3A_357 = arith.addf %reduce_sum3A_355, %add3A_356 : vector<128xf32>
    %swap3A_358 = arith.constant 0 : index
    %swap3A_359 = arith.constant 0 : index
    %swap3A_360 = arith.constant 2944 : index
    %swap3A_361 = vector.load %arg5[%swap3A_358, %swap3A_359, %swap3A_360] : memref<1x1x10000xf32, #tpu.memory_space<vmem>>, vector<1x1x128xf32>
    %swap3A_362 = vector.shape_cast %swap3A_361 : vector<1x1x128xf32> to vector<128xf32>
    %swap3A_363 = vector.shape_cast %add3A_357 : vector<128xf32> to vector<1x1x128xf32>
    tpu.vector_store %arg5[%swap3A_358, %swap3A_359, %swap3A_360], %swap3A_363 {strides = array<i32>} : memref<1x1x10000xf32, #tpu.memory_space<vmem>>, vector<1x1x128xf32>,
    %slice3A_364 = vector.extract_strided_slice %dot_general3A_5 {offsets = [3072, 0], sizes = [128, 128], strides = [1, 1]} : vector<10000x128xf32> to vector<128x128xf32>
    %get3A_365 = arith.constant 0 : index
    %get3A_366 = arith.constant 0 : index
    %get3A_367 = vector.load %arg3[%get3A_365, %get3A_366] : memref<128x128xf32, #tpu.memory_space<vmem>>, vector<128x128xf32>
    %mul3A_368 = arith.mulf %slice3A_364, %get3A_367 : vector<128x128xf32>
    %reduce_sum3A_369 = arith.constant dense<0.000000e+00> : vector<128xf32>
    %reduce_sum3A_370 = vector.multi_reduction <add>, %mul3A_368, %reduce_sum3A_369 [0] : vector<128x128xf32> to vector<128xf32>
    %add3A_371 = vector.broadcast %get3A_8 : f32 to vector<128xf32>
    %add3A_372 = arith.addf %reduce_sum3A_370, %add3A_371 : vector<128xf32>
    %swap3A_373 = arith.constant 0 : index
    %swap3A_374 = arith.constant 0 : index
    %swap3A_375 = arith.constant 3072 : index
    %swap3A_376 = vector.load %arg5[%swap3A_373, %swap3A_374, %swap3A_375] : memref<1x1x10000xf32, #tpu.memory_space<vmem>>, vector<1x1x128xf32>
    %swap3A_377 = vector.shape_cast %swap3A_376 : vector<1x1x128xf32> to vector<128xf32>
    %swap3A_378 = vector.shape_cast %add3A_372 : vector<128xf32> to vector<1x1x128xf32>
    tpu.vector_store %arg5[%swap3A_373, %swap3A_374, %swap3A_375], %swap3A_378 {strides = array<i32>} : memref<1x1x10000xf32, #tpu.memory_space<vmem>>, vector<1x1x128xf32>,
    %slice3A_379 = vector.extract_strided_slice %dot_general3A_5 {offsets = [3200, 0], sizes = [128, 128], strides = [1, 1]} : vector<10000x128xf32> to vector<128x128xf32>
    %get3A_380 = arith.constant 0 : index
    %get3A_381 = arith.constant 0 : index
    %get3A_382 = vector.load %arg3[%get3A_380, %get3A_381] : memref<128x128xf32, #tpu.memory_space<vmem>>, vector<128x128xf32>
    %mul3A_383 = arith.mulf %slice3A_379, %get3A_382 : vector<128x128xf32>
    %reduce_sum3A_384 = arith.constant dense<0.000000e+00> : vector<128xf32>
    %reduce_sum3A_385 = vector.multi_reduction <add>, %mul3A_383, %reduce_sum3A_384 [0] : vector<128x128xf32> to vector<128xf32>
    %add3A_386 = vector.broadcast %get3A_8 : f32 to vector<128xf32>
    %add3A_387 = arith.addf %reduce_sum3A_385, %add3A_386 : vector<128xf32>
    %swap3A_388 = arith.constant 0 : index
    %swap3A_389 = arith.constant 0 : index
    %swap3A_390 = arith.constant 3200 : index
    %swap3A_391 = vector.load %arg5[%swap3A_388, %swap3A_389, %swap3A_390] : memref<1x1x10000xf32, #tpu.memory_space<vmem>>, vector<1x1x128xf32>
    %swap3A_392 = vector.shape_cast %swap3A_391 : vector<1x1x128xf32> to vector<128xf32>
    %swap3A_393 = vector.shape_cast %add3A_387 : vector<128xf32> to vector<1x1x128xf32>
    tpu.vector_store %arg5[%swap3A_388, %swap3A_389, %swap3A_390], %swap3A_393 {strides = array<i32>} : memref<1x1x10000xf32, #tpu.memory_space<vmem>>, vector<1x1x128xf32>,
    %slice3A_394 = vector.extract_strided_slice %dot_general3A_5 {offsets = [3328, 0], sizes = [128, 128], strides = [1, 1]} : vector<10000x128xf32> to vector<128x128xf32>
    %get3A_395 = arith.constant 0 : index
    %get3A_396 = arith.constant 0 : index
    %get3A_397 = vector.load %arg3[%get3A_395, %get3A_396] : memref<128x128xf32, #tpu.memory_space<vmem>>, vector<128x128xf32>
    %mul3A_398 = arith.mulf %slice3A_394, %get3A_397 : vector<128x128xf32>
    %reduce_sum3A_399 = arith.constant dense<0.000000e+00> : vector<128xf32>
    %reduce_sum3A_400 = vector.multi_reduction <add>, %mul3A_398, %reduce_sum3A_399 [0] : vector<128x128xf32> to vector<128xf32>
    %add3A_401 = vector.broadcast %get3A_8 : f32 to vector<128xf32>
    %add3A_402 = arith.addf %reduce_sum3A_400, %add3A_401 : vector<128xf32>
    %swap3A_403 = arith.constant 0 : index
    %swap3A_404 = arith.constant 0 : index
    %swap3A_405 = arith.constant 3328 : index
    %swap3A_406 = vector.load %arg5[%swap3A_403, %swap3A_404, %swap3A_405] : memref<1x1x10000xf32, #tpu.memory_space<vmem>>, vector<1x1x128xf32>
    %swap3A_407 = vector.shape_cast %swap3A_406 : vector<1x1x128xf32> to vector<128xf32>
    %swap3A_408 = vector.shape_cast %add3A_402 : vector<128xf32> to vector<1x1x128xf32>
    tpu.vector_store %arg5[%swap3A_403, %swap3A_404, %swap3A_405], %swap3A_408 {strides = array<i32>} : memref<1x1x10000xf32, #tpu.memory_space<vmem>>, vector<1x1x128xf32>,
    %slice3A_409 = vector.extract_strided_slice %dot_general3A_5 {offsets = [3456, 0], sizes = [128, 128], strides = [1, 1]} : vector<10000x128xf32> to vector<128x128xf32>
    %get3A_410 = arith.constant 0 : index
    %get3A_411 = arith.constant 0 : index
    %get3A_412 = vector.load %arg3[%get3A_410, %get3A_411] : memref<128x128xf32, #tpu.memory_space<vmem>>, vector<128x128xf32>
    %mul3A_413 = arith.mulf %slice3A_409, %get3A_412 : vector<128x128xf32>
    %reduce_sum3A_414 = arith.constant dense<0.000000e+00> : vector<128xf32>
    %reduce_sum3A_415 = vector.multi_reduction <add>, %mul3A_413, %reduce_sum3A_414 [0] : vector<128x128xf32> to vector<128xf32>
    %add3A_416 = vector.broadcast %get3A_8 : f32 to vector<128xf32>
    %add3A_417 = arith.addf %reduce_sum3A_415, %add3A_416 : vector<128xf32>
    %swap3A_418 = arith.constant 0 : index
    %swap3A_419 = arith.constant 0 : index
    %swap3A_420 = arith.constant 3456 : index
    %swap3A_421 = vector.load %arg5[%swap3A_418, %swap3A_419, %swap3A_420] : memref<1x1x10000xf32, #tpu.memory_space<vmem>>, vector<1x1x128xf32>
    %swap3A_422 = vector.shape_cast %swap3A_421 : vector<1x1x128xf32> to vector<128xf32>
    %swap3A_423 = vector.shape_cast %add3A_417 : vector<128xf32> to vector<1x1x128xf32>
    tpu.vector_store %arg5[%swap3A_418, %swap3A_419, %swap3A_420], %swap3A_423 {strides = array<i32>} : memref<1x1x10000xf32, #tpu.memory_space<vmem>>, vector<1x1x128xf32>,
    %slice3A_424 = vector.extract_strided_slice %dot_general3A_5 {offsets = [3584, 0], sizes = [128, 128], strides = [1, 1]} : vector<10000x128xf32> to vector<128x128xf32>
    %get3A_425 = arith.constant 0 : index
    %get3A_426 = arith.constant 0 : index
    %get3A_427 = vector.load %arg3[%get3A_425, %get3A_426] : memref<128x128xf32, #tpu.memory_space<vmem>>, vector<128x128xf32>
    %mul3A_428 = arith.mulf %slice3A_424, %get3A_427 : vector<128x128xf32>
    %reduce_sum3A_429 = arith.constant dense<0.000000e+00> : vector<128xf32>
    %reduce_sum3A_430 = vector.multi_reduction <add>, %mul3A_428, %reduce_sum3A_429 [0] : vector<128x128xf32> to vector<128xf32>
    %add3A_431 = vector.broadcast %get3A_8 : f32 to vector<128xf32>
    %add3A_432 = arith.addf %reduce_sum3A_430, %add3A_431 : vector<128xf32>
    %swap3A_433 = arith.constant 0 : index
    %swap3A_434 = arith.constant 0 : index
    %swap3A_435 = arith.constant 3584 : index
    %swap3A_436 = vector.load %arg5[%swap3A_433, %swap3A_434, %swap3A_435] : memref<1x1x10000xf32, #tpu.memory_space<vmem>>, vector<1x1x128xf32>
    %swap3A_437 = vector.shape_cast %swap3A_436 : vector<1x1x128xf32> to vector<128xf32>
    %swap3A_438 = vector.shape_cast %add3A_432 : vector<128xf32> to vector<1x1x128xf32>
    tpu.vector_store %arg5[%swap3A_433, %swap3A_434, %swap3A_435], %swap3A_438 {strides = array<i32>} : memref<1x1x10000xf32, #tpu.memory_space<vmem>>, vector<1x1x128xf32>,
    %slice3A_439 = vector.extract_strided_slice %dot_general3A_5 {offsets = [3712, 0], sizes = [128, 128], strides = [1, 1]} : vector<10000x128xf32> to vector<128x128xf32>
    %get3A_440 = arith.constant 0 : index
    %get3A_441 = arith.constant 0 : index
    %get3A_442 = vector.load %arg3[%get3A_440, %get3A_441] : memref<128x128xf32, #tpu.memory_space<vmem>>, vector<128x128xf32>
    %mul3A_443 = arith.mulf %slice3A_439, %get3A_442 : vector<128x128xf32>
    %reduce_sum3A_444 = arith.constant dense<0.000000e+00> : vector<128xf32>
    %reduce_sum3A_445 = vector.multi_reduction <add>, %mul3A_443, %reduce_sum3A_444 [0] : vector<128x128xf32> to vector<128xf32>
    %add3A_446 = vector.broadcast %get3A_8 : f32 to vector<128xf32>
    %add3A_447 = arith.addf %reduce_sum3A_445, %add3A_446 : vector<128xf32>
    %swap3A_448 = arith.constant 0 : index
    %swap3A_449 = arith.constant 0 : index
    %swap3A_450 = arith.constant 3712 : index
    %swap3A_451 = vector.load %arg5[%swap3A_448, %swap3A_449, %swap3A_450] : memref<1x1x10000xf32, #tpu.memory_space<vmem>>, vector<1x1x128xf32>
    %swap3A_452 = vector.shape_cast %swap3A_451 : vector<1x1x128xf32> to vector<128xf32>
    %swap3A_453 = vector.shape_cast %add3A_447 : vector<128xf32> to vector<1x1x128xf32>
    tpu.vector_store %arg5[%swap3A_448, %swap3A_449, %swap3A_450], %swap3A_453 {strides = array<i32>} : memref<1x1x10000xf32, #tpu.memory_space<vmem>>, vector<1x1x128xf32>,
    %slice3A_454 = vector.extract_strided_slice %dot_general3A_5 {offsets = [3840, 0], sizes = [128, 128], strides = [1, 1]} : vector<10000x128xf32> to vector<128x128xf32>
    %get3A_455 = arith.constant 0 : index
    %get3A_456 = arith.constant 0 : index
    %get3A_457 = vector.load %arg3[%get3A_455, %get3A_456] : memref<128x128xf32, #tpu.memory_space<vmem>>, vector<128x128xf32>
    %mul3A_458 = arith.mulf %slice3A_454, %get3A_457 : vector<128x128xf32>
    %reduce_sum3A_459 = arith.constant dense<0.000000e+00> : vector<128xf32>
    %reduce_sum3A_460 = vector.multi_reduction <add>, %mul3A_458, %reduce_sum3A_459 [0] : vector<128x128xf32> to vector<128xf32>
    %add3A_461 = vector.broadcast %get3A_8 : f32 to vector<128xf32>
    %add3A_462 = arith.addf %reduce_sum3A_460, %add3A_461 : vector<128xf32>
    %swap3A_463 = arith.constant 0 : index
    %swap3A_464 = arith.constant 0 : index
    %swap3A_465 = arith.constant 3840 : index
    %swap3A_466 = vector.load %arg5[%swap3A_463, %swap3A_464, %swap3A_465] : memref<1x1x10000xf32, #tpu.memory_space<vmem>>, vector<1x1x128xf32>
    %swap3A_467 = vector.shape_cast %swap3A_466 : vector<1x1x128xf32> to vector<128xf32>
    %swap3A_468 = vector.shape_cast %add3A_462 : vector<128xf32> to vector<1x1x128xf32>
    tpu.vector_store %arg5[%swap3A_463, %swap3A_464, %swap3A_465], %swap3A_468 {strides = array<i32>} : memref<1x1x10000xf32, #tpu.memory_space<vmem>>, vector<1x1x128xf32>,
    %slice3A_469 = vector.extract_strided_slice %dot_general3A_5 {offsets = [3968, 0], sizes = [128, 128], strides = [1, 1]} : vector<10000x128xf32> to vector<128x128xf32>
    %get3A_470 = arith.constant 0 : index
    %get3A_471 = arith.constant 0 : index
    %get3A_472 = vector.load %arg3[%get3A_470, %get3A_471] : memref<128x128xf32, #tpu.memory_space<vmem>>, vector<128x128xf32>
    %mul3A_473 = arith.mulf %slice3A_469, %get3A_472 : vector<128x128xf32>
    %reduce_sum3A_474 = arith.constant dense<0.000000e+00> : vector<128xf32>
    %reduce_sum3A_475 = vector.multi_reduction <add>, %mul3A_473, %reduce_sum3A_474 [0] : vector<128x128xf32> to vector<128xf32>
    %add3A_476 = vector.broadcast %get3A_8 : f32 to vector<128xf32>
    %add3A_477 = arith.addf %reduce_sum3A_475, %add3A_476 : vector<128xf32>
    %swap3A_478 = arith.constant 0 : index
    %swap3A_479 = arith.constant 0 : index
    %swap3A_480 = arith.constant 3968 : index
    %swap3A_481 = vector.load %arg5[%swap3A_478, %swap3A_479, %swap3A_480] : memref<1x1x10000xf32, #tpu.memory_space<vmem>>, vector<1x1x128xf32>
    %swap3A_482 = vector.shape_cast %swap3A_481 : vector<1x1x128xf32> to vector<128xf32>
    %swap3A_483 = vector.shape_cast %add3A_477 : vector<128xf32> to vector<1x1x128xf32>
    tpu.vector_store %arg5[%swap3A_478, %swap3A_479, %swap3A_480], %swap3A_483 {strides = array<i32>} : memref<1x1x10000xf32, #tpu.memory_space<vmem>>, vector<1x1x128xf32>,
    %slice3A_484 = vector.extract_strided_slice %dot_general3A_5 {offsets = [4096, 0], sizes = [128, 128], strides = [1, 1]} : vector<10000x128xf32> to vector<128x128xf32>
    %get3A_485 = arith.constant 0 : index
    %get3A_486 = arith.constant 0 : index
    %get3A_487 = vector.load %arg3[%get3A_485, %get3A_486] : memref<128x128xf32, #tpu.memory_space<vmem>>, vector<128x128xf32>
    %mul3A_488 = arith.mulf %slice3A_484, %get3A_487 : vector<128x128xf32>
    %reduce_sum3A_489 = arith.constant dense<0.000000e+00> : vector<128xf32>
    %reduce_sum3A_490 = vector.multi_reduction <add>, %mul3A_488, %reduce_sum3A_489 [0] : vector<128x128xf32> to vector<128xf32>
    %add3A_491 = vector.broadcast %get3A_8 : f32 to vector<128xf32>
    %add3A_492 = arith.addf %reduce_sum3A_490, %add3A_491 : vector<128xf32>
    %swap3A_493 = arith.constant 0 : index
    %swap3A_494 = arith.constant 0 : index
    %swap3A_495 = arith.constant 4096 : index
    %swap3A_496 = vector.load %arg5[%swap3A_493, %swap3A_494, %swap3A_495] : memref<1x1x10000xf32, #tpu.memory_space<vmem>>, vector<1x1x128xf32>
    %swap3A_497 = vector.shape_cast %swap3A_496 : vector<1x1x128xf32> to vector<128xf32>
    %swap3A_498 = vector.shape_cast %add3A_492 : vector<128xf32> to vector<1x1x128xf32>
    tpu.vector_store %arg5[%swap3A_493, %swap3A_494, %swap3A_495], %swap3A_498 {strides = array<i32>} : memref<1x1x10000xf32, #tpu.memory_space<vmem>>, vector<1x1x128xf32>,
    %slice3A_499 = vector.extract_strided_slice %dot_general3A_5 {offsets = [4224, 0], sizes = [128, 128], strides = [1, 1]} : vector<10000x128xf32> to vector<128x128xf32>
    %get3A_500 = arith.constant 0 : index
    %get3A_501 = arith.constant 0 : index
    %get3A_502 = vector.load %arg3[%get3A_500, %get3A_501] : memref<128x128xf32, #tpu.memory_space<vmem>>, vector<128x128xf32>
    %mul3A_503 = arith.mulf %slice3A_499, %get3A_502 : vector<128x128xf32>
    %reduce_sum3A_504 = arith.constant dense<0.000000e+00> : vector<128xf32>
    %reduce_sum3A_505 = vector.multi_reduction <add>, %mul3A_503, %reduce_sum3A_504 [0] : vector<128x128xf32> to vector<128xf32>
    %add3A_506 = vector.broadcast %get3A_8 : f32 to vector<128xf32>
    %add3A_507 = arith.addf %reduce_sum3A_505, %add3A_506 : vector<128xf32>
    %swap3A_508 = arith.constant 0 : index
    %swap3A_509 = arith.constant 0 : index
    %swap3A_510 = arith.constant 4224 : index
    %swap3A_511 = vector.load %arg5[%swap3A_508, %swap3A_509, %swap3A_510] : memref<1x1x10000xf32, #tpu.memory_space<vmem>>, vector<1x1x128xf32>
    %swap3A_512 = vector.shape_cast %swap3A_511 : vector<1x1x128xf32> to vector<128xf32>
    %swap3A_513 = vector.shape_cast %add3A_507 : vector<128xf32> to vector<1x1x128xf32>
    tpu.vector_store %arg5[%swap3A_508, %swap3A_509, %swap3A_510], %swap3A_513 {strides = array<i32>} : memref<1x1x10000xf32, #tpu.memory_space<vmem>>, vector<1x1x128xf32>,
    %slice3A_514 = vector.extract_strided_slice %dot_general3A_5 {offsets = [4352, 0], sizes = [128, 128], strides = [1, 1]} : vector<10000x128xf32> to vector<128x128xf32>
    %get3A_515 = arith.constant 0 : index
    %get3A_516 = arith.constant 0 : index
    %get3A_517 = vector.load %arg3[%get3A_515, %get3A_516] : memref<128x128xf32, #tpu.memory_space<vmem>>, vector<128x128xf32>
    %mul3A_518 = arith.mulf %slice3A_514, %get3A_517 : vector<128x128xf32>
    %reduce_sum3A_519 = arith.constant dense<0.000000e+00> : vector<128xf32>
    %reduce_sum3A_520 = vector.multi_reduction <add>, %mul3A_518, %reduce_sum3A_519 [0] : vector<128x128xf32> to vector<128xf32>
    %add3A_521 = vector.broadcast %get3A_8 : f32 to vector<128xf32>
    %add3A_522 = arith.addf %reduce_sum3A_520, %add3A_521 : vector<128xf32>
    %swap3A_523 = arith.constant 0 : index
    %swap3A_524 = arith.constant 0 : index
    %swap3A_525 = arith.constant 4352 : index
    %swap3A_526 = vector.load %arg5[%swap3A_523, %swap3A_524, %swap3A_525] : memref<1x1x10000xf32, #tpu.memory_space<vmem>>, vector<1x1x128xf32>
    %swap3A_527 = vector.shape_cast %swap3A_526 : vector<1x1x128xf32> to vector<128xf32>
    %swap3A_528 = vector.shape_cast %add3A_522 : vector<128xf32> to vector<1x1x128xf32>
    tpu.vector_store %arg5[%swap3A_523, %swap3A_524, %swap3A_525], %swap3A_528 {strides = array<i32>} : memref<1x1x10000xf32, #tpu.memory_space<vmem>>, vector<1x1x128xf32>,
    %slice3A_529 = vector.extract_strided_slice %dot_general3A_5 {offsets = [4480, 0], sizes = [128, 128], strides = [1, 1]} : vector<10000x128xf32> to vector<128x128xf32>
    %get3A_530 = arith.constant 0 : index
    %get3A_531 = arith.constant 0 : index
    %get3A_532 = vector.load %arg3[%get3A_530, %get3A_531] : memref<128x128xf32, #tpu.memory_space<vmem>>, vector<128x128xf32>
    %mul3A_533 = arith.mulf %slice3A_529, %get3A_532 : vector<128x128xf32>
    %reduce_sum3A_534 = arith.constant dense<0.000000e+00> : vector<128xf32>
    %reduce_sum3A_535 = vector.multi_reduction <add>, %mul3A_533, %reduce_sum3A_534 [0] : vector<128x128xf32> to vector<128xf32>
    %add3A_536 = vector.broadcast %get3A_8 : f32 to vector<128xf32>
    %add3A_537 = arith.addf %reduce_sum3A_535, %add3A_536 : vector<128xf32>
    %swap3A_538 = arith.constant 0 : index
    %swap3A_539 = arith.constant 0 : index
    %swap3A_540 = arith.constant 4480 : index
    %swap3A_541 = vector.load %arg5[%swap3A_538, %swap3A_539, %swap3A_540] : memref<1x1x10000xf32, #tpu.memory_space<vmem>>, vector<1x1x128xf32>
    %swap3A_542 = vector.shape_cast %swap3A_541 : vector<1x1x128xf32> to vector<128xf32>
    %swap3A_543 = vector.shape_cast %add3A_537 : vector<128xf32> to vector<1x1x128xf32>
    tpu.vector_store %arg5[%swap3A_538, %swap3A_539, %swap3A_540], %swap3A_543 {strides = array<i32>} : memref<1x1x10000xf32, #tpu.memory_space<vmem>>, vector<1x1x128xf32>,
    %slice3A_544 = vector.extract_strided_slice %dot_general3A_5 {offsets = [4608, 0], sizes = [128, 128], strides = [1, 1]} : vector<10000x128xf32> to vector<128x128xf32>
    %get3A_545 = arith.constant 0 : index
    %get3A_546 = arith.constant 0 : index
    %get3A_547 = vector.load %arg3[%get3A_545, %get3A_546] : memref<128x128xf32, #tpu.memory_space<vmem>>, vector<128x128xf32>
    %mul3A_548 = arith.mulf %slice3A_544, %get3A_547 : vector<128x128xf32>
    %reduce_sum3A_549 = arith.constant dense<0.000000e+00> : vector<128xf32>
    %reduce_sum3A_550 = vector.multi_reduction <add>, %mul3A_548, %reduce_sum3A_549 [0] : vector<128x128xf32> to vector<128xf32>
    %add3A_551 = vector.broadcast %get3A_8 : f32 to vector<128xf32>
    %add3A_552 = arith.addf %reduce_sum3A_550, %add3A_551 : vector<128xf32>
    %swap3A_553 = arith.constant 0 : index
    %swap3A_554 = arith.constant 0 : index
    %swap3A_555 = arith.constant 4608 : index
    %swap3A_556 = vector.load %arg5[%swap3A_553, %swap3A_554, %swap3A_555] : memref<1x1x10000xf32, #tpu.memory_space<vmem>>, vector<1x1x128xf32>
    %swap3A_557 = vector.shape_cast %swap3A_556 : vector<1x1x128xf32> to vector<128xf32>
    %swap3A_558 = vector.shape_cast %add3A_552 : vector<128xf32> to vector<1x1x128xf32>
    tpu.vector_store %arg5[%swap3A_553, %swap3A_554, %swap3A_555], %swap3A_558 {strides = array<i32>} : memref<1x1x10000xf32, #tpu.memory_space<vmem>>, vector<1x1x128xf32>,
    %slice3A_559 = vector.extract_strided_slice %dot_general3A_5 {offsets = [4736, 0], sizes = [128, 128], strides = [1, 1]} : vector<10000x128xf32> to vector<128x128xf32>
    %get3A_560 = arith.constant 0 : index
    %get3A_561 = arith.constant 0 : index
    %get3A_562 = vector.load %arg3[%get3A_560, %get3A_561] : memref<128x128xf32, #tpu.memory_space<vmem>>, vector<128x128xf32>
    %mul3A_563 = arith.mulf %slice3A_559, %get3A_562 : vector<128x128xf32>
    %reduce_sum3A_564 = arith.constant dense<0.000000e+00> : vector<128xf32>
    %reduce_sum3A_565 = vector.multi_reduction <add>, %mul3A_563, %reduce_sum3A_564 [0] : vector<128x128xf32> to vector<128xf32>
    %add3A_566 = vector.broadcast %get3A_8 : f32 to vector<128xf32>
    %add3A_567 = arith.addf %reduce_sum3A_565, %add3A_566 : vector<128xf32>
    %swap3A_568 = arith.constant 0 : index
    %swap3A_569 = arith.constant 0 : index
    %swap3A_570 = arith.constant 4736 : index
    %swap3A_571 = vector.load %arg5[%swap3A_568, %swap3A_569, %swap3A_570] : memref<1x1x10000xf32, #tpu.memory_space<vmem>>, vector<1x1x128xf32>
    %swap3A_572 = vector.shape_cast %swap3A_571 : vector<1x1x128xf32> to vector<128xf32>
    %swap3A_573 = vector.shape_cast %add3A_567 : vector<128xf32> to vector<1x1x128xf32>
    tpu.vector_store %arg5[%swap3A_568, %swap3A_569, %swap3A_570], %swap3A_573 {strides = array<i32>} : memref<1x1x10000xf32, #tpu.memory_space<vmem>>, vector<1x1x128xf32>,
    %slice3A_574 = vector.extract_strided_slice %dot_general3A_5 {offsets = [4864, 0], sizes = [128, 128], strides = [1, 1]} : vector<10000x128xf32> to vector<128x128xf32>
    %get3A_575 = arith.constant 0 : index
    %get3A_576 = arith.constant 0 : index
    %get3A_577 = vector.load %arg3[%get3A_575, %get3A_576] : memref<128x128xf32, #tpu.memory_space<vmem>>, vector<128x128xf32>
    %mul3A_578 = arith.mulf %slice3A_574, %get3A_577 : vector<128x128xf32>
    %reduce_sum3A_579 = arith.constant dense<0.000000e+00> : vector<128xf32>
    %reduce_sum3A_580 = vector.multi_reduction <add>, %mul3A_578, %reduce_sum3A_579 [0] : vector<128x128xf32> to vector<128xf32>
    %add3A_581 = vector.broadcast %get3A_8 : f32 to vector<128xf32>
    %add3A_582 = arith.addf %reduce_sum3A_580, %add3A_581 : vector<128xf32>
    %swap3A_583 = arith.constant 0 : index
    %swap3A_584 = arith.constant 0 : index
    %swap3A_585 = arith.constant 4864 : index
    %swap3A_586 = vector.load %arg5[%swap3A_583, %swap3A_584, %swap3A_585] : memref<1x1x10000xf32, #tpu.memory_space<vmem>>, vector<1x1x128xf32>
    %swap3A_587 = vector.shape_cast %swap3A_586 : vector<1x1x128xf32> to vector<128xf32>
    %swap3A_588 = vector.shape_cast %add3A_582 : vector<128xf32> to vector<1x1x128xf32>
    tpu.vector_store %arg5[%swap3A_583, %swap3A_584, %swap3A_585], %swap3A_588 {strides = array<i32>} : memref<1x1x10000xf32, #tpu.memory_space<vmem>>, vector<1x1x128xf32>,
    %slice3A_589 = vector.extract_strided_slice %dot_general3A_5 {offsets = [4992, 0], sizes = [128, 128], strides = [1, 1]} : vector<10000x128xf32> to vector<128x128xf32>
    %get3A_590 = arith.constant 0 : index
    %get3A_591 = arith.constant 0 : index
    %get3A_592 = vector.load %arg3[%get3A_590, %get3A_591] : memref<128x128xf32, #tpu.memory_space<vmem>>, vector<128x128xf32>
    %mul3A_593 = arith.mulf %slice3A_589, %get3A_592 : vector<128x128xf32>
    %reduce_sum3A_594 = arith.constant dense<0.000000e+00> : vector<128xf32>
    %reduce_sum3A_595 = vector.multi_reduction <add>, %mul3A_593, %reduce_sum3A_594 [0] : vector<128x128xf32> to vector<128xf32>
    %add3A_596 = vector.broadcast %get3A_8 : f32 to vector<128xf32>
    %add3A_597 = arith.addf %reduce_sum3A_595, %add3A_596 : vector<128xf32>
    %swap3A_598 = arith.constant 0 : index
    %swap3A_599 = arith.constant 0 : index
    %swap3A_600 = arith.constant 4992 : index
    %swap3A_601 = vector.load %arg5[%swap3A_598, %swap3A_599, %swap3A_600] : memref<1x1x10000xf32, #tpu.memory_space<vmem>>, vector<1x1x128xf32>
    %swap3A_602 = vector.shape_cast %swap3A_601 : vector<1x1x128xf32> to vector<128xf32>
    %swap3A_603 = vector.shape_cast %add3A_597 : vector<128xf32> to vector<1x1x128xf32>
    tpu.vector_store %arg5[%swap3A_598, %swap3A_599, %swap3A_600], %swap3A_603 {strides = array<i32>} : memref<1x1x10000xf32, #tpu.memory_space<vmem>>, vector<1x1x128xf32>,
    %slice3A_604 = vector.extract_strided_slice %dot_general3A_5 {offsets = [5120, 0], sizes = [128, 128], strides = [1, 1]} : vector<10000x128xf32> to vector<128x128xf32>
    %get3A_605 = arith.constant 0 : index
    %get3A_606 = arith.constant 0 : index
    %get3A_607 = vector.load %arg3[%get3A_605, %get3A_606] : memref<128x128xf32, #tpu.memory_space<vmem>>, vector<128x128xf32>
    %mul3A_608 = arith.mulf %slice3A_604, %get3A_607 : vector<128x128xf32>
    %reduce_sum3A_609 = arith.constant dense<0.000000e+00> : vector<128xf32>
    %reduce_sum3A_610 = vector.multi_reduction <add>, %mul3A_608, %reduce_sum3A_609 [0] : vector<128x128xf32> to vector<128xf32>
    %add3A_611 = vector.broadcast %get3A_8 : f32 to vector<128xf32>
    %add3A_612 = arith.addf %reduce_sum3A_610, %add3A_611 : vector<128xf32>
    %swap3A_613 = arith.constant 0 : index
    %swap3A_614 = arith.constant 0 : index
    %swap3A_615 = arith.constant 5120 : index
    %swap3A_616 = vector.load %arg5[%swap3A_613, %swap3A_614, %swap3A_615] : memref<1x1x10000xf32, #tpu.memory_space<vmem>>, vector<1x1x128xf32>
    %swap3A_617 = vector.shape_cast %swap3A_616 : vector<1x1x128xf32> to vector<128xf32>
    %swap3A_618 = vector.shape_cast %add3A_612 : vector<128xf32> to vector<1x1x128xf32>
    tpu.vector_store %arg5[%swap3A_613, %swap3A_614, %swap3A_615], %swap3A_618 {strides = array<i32>} : memref<1x1x10000xf32, #tpu.memory_space<vmem>>, vector<1x1x128xf32>,
    %slice3A_619 = vector.extract_strided_slice %dot_general3A_5 {offsets = [5248, 0], sizes = [128, 128], strides = [1, 1]} : vector<10000x128xf32> to vector<128x128xf32>
    %get3A_620 = arith.constant 0 : index
    %get3A_621 = arith.constant 0 : index
    %get3A_622 = vector.load %arg3[%get3A_620, %get3A_621] : memref<128x128xf32, #tpu.memory_space<vmem>>, vector<128x128xf32>
    %mul3A_623 = arith.mulf %slice3A_619, %get3A_622 : vector<128x128xf32>
    %reduce_sum3A_624 = arith.constant dense<0.000000e+00> : vector<128xf32>
    %reduce_sum3A_625 = vector.multi_reduction <add>, %mul3A_623, %reduce_sum3A_624 [0] : vector<128x128xf32> to vector<128xf32>
    %add3A_626 = vector.broadcast %get3A_8 : f32 to vector<128xf32>
    %add3A_627 = arith.addf %reduce_sum3A_625, %add3A_626 : vector<128xf32>
    %swap3A_628 = arith.constant 0 : index
    %swap3A_629 = arith.constant 0 : index
    %swap3A_630 = arith.constant 5248 : index
    %swap3A_631 = vector.load %arg5[%swap3A_628, %swap3A_629, %swap3A_630] : memref<1x1x10000xf32, #tpu.memory_space<vmem>>, vector<1x1x128xf32>
    %swap3A_632 = vector.shape_cast %swap3A_631 : vector<1x1x128xf32> to vector<128xf32>
    %swap3A_633 = vector.shape_cast %add3A_627 : vector<128xf32> to vector<1x1x128xf32>
    tpu.vector_store %arg5[%swap3A_628, %swap3A_629, %swap3A_630], %swap3A_633 {strides = array<i32>} : memref<1x1x10000xf32, #tpu.memory_space<vmem>>, vector<1x1x128xf32>,
    %slice3A_634 = vector.extract_strided_slice %dot_general3A_5 {offsets = [5376, 0], sizes = [128, 128], strides = [1, 1]} : vector<10000x128xf32> to vector<128x128xf32>
    %get3A_635 = arith.constant 0 : index
    %get3A_636 = arith.constant 0 : index
    %get3A_637 = vector.load %arg3[%get3A_635, %get3A_636] : memref<128x128xf32, #tpu.memory_space<vmem>>, vector<128x128xf32>
    %mul3A_638 = arith.mulf %slice3A_634, %get3A_637 : vector<128x128xf32>
    %reduce_sum3A_639 = arith.constant dense<0.000000e+00> : vector<128xf32>
    %reduce_sum3A_640 = vector.multi_reduction <add>, %mul3A_638, %reduce_sum3A_639 [0] : vector<128x128xf32> to vector<128xf32>
    %add3A_641 = vector.broadcast %get3A_8 : f32 to vector<128xf32>
    %add3A_642 = arith.addf %reduce_sum3A_640, %add3A_641 : vector<128xf32>
    %swap3A_643 = arith.constant 0 : index
    %swap3A_644 = arith.constant 0 : index
    %swap3A_645 = arith.constant 5376 : index
    %swap3A_646 = vector.load %arg5[%swap3A_643, %swap3A_644, %swap3A_645] : memref<1x1x10000xf32, #tpu.memory_space<vmem>>, vector<1x1x128xf32>
    %swap3A_647 = vector.shape_cast %swap3A_646 : vector<1x1x128xf32> to vector<128xf32>
    %swap3A_648 = vector.shape_cast %add3A_642 : vector<128xf32> to vector<1x1x128xf32>
    tpu.vector_store %arg5[%swap3A_643, %swap3A_644, %swap3A_645], %swap3A_648 {strides = array<i32>} : memref<1x1x10000xf32, #tpu.memory_space<vmem>>, vector<1x1x128xf32>,
    %slice3A_649 = vector.extract_strided_slice %dot_general3A_5 {offsets = [5504, 0], sizes = [128, 128], strides = [1, 1]} : vector<10000x128xf32> to vector<128x128xf32>
    %get3A_650 = arith.constant 0 : index
    %get3A_651 = arith.constant 0 : index
    %get3A_652 = vector.load %arg3[%get3A_650, %get3A_651] : memref<128x128xf32, #tpu.memory_space<vmem>>, vector<128x128xf32>
    %mul3A_653 = arith.mulf %slice3A_649, %get3A_652 : vector<128x128xf32>
    %reduce_sum3A_654 = arith.constant dense<0.000000e+00> : vector<128xf32>
    %reduce_sum3A_655 = vector.multi_reduction <add>, %mul3A_653, %reduce_sum3A_654 [0] : vector<128x128xf32> to vector<128xf32>
    %add3A_656 = vector.broadcast %get3A_8 : f32 to vector<128xf32>
    %add3A_657 = arith.addf %reduce_sum3A_655, %add3A_656 : vector<128xf32>
    %swap3A_658 = arith.constant 0 : index
    %swap3A_659 = arith.constant 0 : index
    %swap3A_660 = arith.constant 5504 : index
    %swap3A_661 = vector.load %arg5[%swap3A_658, %swap3A_659, %swap3A_660] : memref<1x1x10000xf32, #tpu.memory_space<vmem>>, vector<1x1x128xf32>
    %swap3A_662 = vector.shape_cast %swap3A_661 : vector<1x1x128xf32> to vector<128xf32>
    %swap3A_663 = vector.shape_cast %add3A_657 : vector<128xf32> to vector<1x1x128xf32>
    tpu.vector_store %arg5[%swap3A_658, %swap3A_659, %swap3A_660], %swap3A_663 {strides = array<i32>} : memref<1x1x10000xf32, #tpu.memory_space<vmem>>, vector<1x1x128xf32>,
    %slice3A_664 = vector.extract_strided_slice %dot_general3A_5 {offsets = [5632, 0], sizes = [128, 128], strides = [1, 1]} : vector<10000x128xf32> to vector<128x128xf32>
    %get3A_665 = arith.constant 0 : index
    %get3A_666 = arith.constant 0 : index
    %get3A_667 = vector.load %arg3[%get3A_665, %get3A_666] : memref<128x128xf32, #tpu.memory_space<vmem>>, vector<128x128xf32>
    %mul3A_668 = arith.mulf %slice3A_664, %get3A_667 : vector<128x128xf32>
    %reduce_sum3A_669 = arith.constant dense<0.000000e+00> : vector<128xf32>
    %reduce_sum3A_670 = vector.multi_reduction <add>, %mul3A_668, %reduce_sum3A_669 [0] : vector<128x128xf32> to vector<128xf32>
    %add3A_671 = vector.broadcast %get3A_8 : f32 to vector<128xf32>
    %add3A_672 = arith.addf %reduce_sum3A_670, %add3A_671 : vector<128xf32>
    %swap3A_673 = arith.constant 0 : index
    %swap3A_674 = arith.constant 0 : index
    %swap3A_675 = arith.constant 5632 : index
    %swap3A_676 = vector.load %arg5[%swap3A_673, %swap3A_674, %swap3A_675] : memref<1x1x10000xf32, #tpu.memory_space<vmem>>, vector<1x1x128xf32>
    %swap3A_677 = vector.shape_cast %swap3A_676 : vector<1x1x128xf32> to vector<128xf32>
    %swap3A_678 = vector.shape_cast %add3A_672 : vector<128xf32> to vector<1x1x128xf32>
    tpu.vector_store %arg5[%swap3A_673, %swap3A_674, %swap3A_675], %swap3A_678 {strides = array<i32>} : memref<1x1x10000xf32, #tpu.memory_space<vmem>>, vector<1x1x128xf32>,
    %slice3A_679 = vector.extract_strided_slice %dot_general3A_5 {offsets = [5760, 0], sizes = [128, 128], strides = [1, 1]} : vector<10000x128xf32> to vector<128x128xf32>
    %get3A_680 = arith.constant 0 : index
    %get3A_681 = arith.constant 0 : index
    %get3A_682 = vector.load %arg3[%get3A_680, %get3A_681] : memref<128x128xf32, #tpu.memory_space<vmem>>, vector<128x128xf32>
    %mul3A_683 = arith.mulf %slice3A_679, %get3A_682 : vector<128x128xf32>
    %reduce_sum3A_684 = arith.constant dense<0.000000e+00> : vector<128xf32>
    %reduce_sum3A_685 = vector.multi_reduction <add>, %mul3A_683, %reduce_sum3A_684 [0] : vector<128x128xf32> to vector<128xf32>
    %add3A_686 = vector.broadcast %get3A_8 : f32 to vector<128xf32>
    %add3A_687 = arith.addf %reduce_sum3A_685, %add3A_686 : vector<128xf32>
    %swap3A_688 = arith.constant 0 : index
    %swap3A_689 = arith.constant 0 : index
    %swap3A_690 = arith.constant 5760 : index
    %swap3A_691 = vector.load %arg5[%swap3A_688, %swap3A_689, %swap3A_690] : memref<1x1x10000xf32, #tpu.memory_space<vmem>>, vector<1x1x128xf32>
    %swap3A_692 = vector.shape_cast %swap3A_691 : vector<1x1x128xf32> to vector<128xf32>
    %swap3A_693 = vector.shape_cast %add3A_687 : vector<128xf32> to vector<1x1x128xf32>
    tpu.vector_store %arg5[%swap3A_688, %swap3A_689, %swap3A_690], %swap3A_693 {strides = array<i32>} : memref<1x1x10000xf32, #tpu.memory_space<vmem>>, vector<1x1x128xf32>,
    %slice3A_694 = vector.extract_strided_slice %dot_general3A_5 {offsets = [5888, 0], sizes = [128, 128], strides = [1, 1]} : vector<10000x128xf32> to vector<128x128xf32>
    %get3A_695 = arith.constant 0 : index
    %get3A_696 = arith.constant 0 : index
    %get3A_697 = vector.load %arg3[%get3A_695, %get3A_696] : memref<128x128xf32, #tpu.memory_space<vmem>>, vector<128x128xf32>
    %mul3A_698 = arith.mulf %slice3A_694, %get3A_697 : vector<128x128xf32>
    %reduce_sum3A_699 = arith.constant dense<0.000000e+00> : vector<128xf32>
    %reduce_sum3A_700 = vector.multi_reduction <add>, %mul3A_698, %reduce_sum3A_699 [0] : vector<128x128xf32> to vector<128xf32>
    %add3A_701 = vector.broadcast %get3A_8 : f32 to vector<128xf32>
    %add3A_702 = arith.addf %reduce_sum3A_700, %add3A_701 : vector<128xf32>
    %swap3A_703 = arith.constant 0 : index
    %swap3A_704 = arith.constant 0 : index
    %swap3A_705 = arith.constant 5888 : index
    %swap3A_706 = vector.load %arg5[%swap3A_703, %swap3A_704, %swap3A_705] : memref<1x1x10000xf32, #tpu.memory_space<vmem>>, vector<1x1x128xf32>
    %swap3A_707 = vector.shape_cast %swap3A_706 : vector<1x1x128xf32> to vector<128xf32>
    %swap3A_708 = vector.shape_cast %add3A_702 : vector<128xf32> to vector<1x1x128xf32>
    tpu.vector_store %arg5[%swap3A_703, %swap3A_704, %swap3A_705], %swap3A_708 {strides = array<i32>} : memref<1x1x10000xf32, #tpu.memory_space<vmem>>, vector<1x1x128xf32>,
    %slice3A_709 = vector.extract_strided_slice %dot_general3A_5 {offsets = [6016, 0], sizes = [128, 128], strides = [1, 1]} : vector<10000x128xf32> to vector<128x128xf32>
    %get3A_710 = arith.constant 0 : index
    %get3A_711 = arith.constant 0 : index
    %get3A_712 = vector.load %arg3[%get3A_710, %get3A_711] : memref<128x128xf32, #tpu.memory_space<vmem>>, vector<128x128xf32>
    %mul3A_713 = arith.mulf %slice3A_709, %get3A_712 : vector<128x128xf32>
    %reduce_sum3A_714 = arith.constant dense<0.000000e+00> : vector<128xf32>
    %reduce_sum3A_715 = vector.multi_reduction <add>, %mul3A_713, %reduce_sum3A_714 [0] : vector<128x128xf32> to vector<128xf32>
    %add3A_716 = vector.broadcast %get3A_8 : f32 to vector<128xf32>
    %add3A_717 = arith.addf %reduce_sum3A_715, %add3A_716 : vector<128xf32>
    %swap3A_718 = arith.constant 0 : index
    %swap3A_719 = arith.constant 0 : index
    %swap3A_720 = arith.constant 6016 : index
    %swap3A_721 = vector.load %arg5[%swap3A_718, %swap3A_719, %swap3A_720] : memref<1x1x10000xf32, #tpu.memory_space<vmem>>, vector<1x1x128xf32>
    %swap3A_722 = vector.shape_cast %swap3A_721 : vector<1x1x128xf32> to vector<128xf32>
    %swap3A_723 = vector.shape_cast %add3A_717 : vector<128xf32> to vector<1x1x128xf32>
    tpu.vector_store %arg5[%swap3A_718, %swap3A_719, %swap3A_720], %swap3A_723 {strides = array<i32>} : memref<1x1x10000xf32, #tpu.memory_space<vmem>>, vector<1x1x128xf32>,
    %slice3A_724 = vector.extract_strided_slice %dot_general3A_5 {offsets = [6144, 0], sizes = [128, 128], strides = [1, 1]} : vector<10000x128xf32> to vector<128x128xf32>
    %get3A_725 = arith.constant 0 : index
    %get3A_726 = arith.constant 0 : index
    %get3A_727 = vector.load %arg3[%get3A_725, %get3A_726] : memref<128x128xf32, #tpu.memory_space<vmem>>, vector<128x128xf32>
    %mul3A_728 = arith.mulf %slice3A_724, %get3A_727 : vector<128x128xf32>
    %reduce_sum3A_729 = arith.constant dense<0.000000e+00> : vector<128xf32>
    %reduce_sum3A_730 = vector.multi_reduction <add>, %mul3A_728, %reduce_sum3A_729 [0] : vector<128x128xf32> to vector<128xf32>
    %add3A_731 = vector.broadcast %get3A_8 : f32 to vector<128xf32>
    %add3A_732 = arith.addf %reduce_sum3A_730, %add3A_731 : vector<128xf32>
    %swap3A_733 = arith.constant 0 : index
    %swap3A_734 = arith.constant 0 : index
    %swap3A_735 = arith.constant 6144 : index
    %swap3A_736 = vector.load %arg5[%swap3A_733, %swap3A_734, %swap3A_735] : memref<1x1x10000xf32, #tpu.memory_space<vmem>>, vector<1x1x128xf32>
    %swap3A_737 = vector.shape_cast %swap3A_736 : vector<1x1x128xf32> to vector<128xf32>
    %swap3A_738 = vector.shape_cast %add3A_732 : vector<128xf32> to vector<1x1x128xf32>
    tpu.vector_store %arg5[%swap3A_733, %swap3A_734, %swap3A_735], %swap3A_738 {strides = array<i32>} : memref<1x1x10000xf32, #tpu.memory_space<vmem>>, vector<1x1x128xf32>,
    %slice3A_739 = vector.extract_strided_slice %dot_general3A_5 {offsets = [6272, 0], sizes = [128, 128], strides = [1, 1]} : vector<10000x128xf32> to vector<128x128xf32>
    %get3A_740 = arith.constant 0 : index
    %get3A_741 = arith.constant 0 : index
    %get3A_742 = vector.load %arg3[%get3A_740, %get3A_741] : memref<128x128xf32, #tpu.memory_space<vmem>>, vector<128x128xf32>
    %mul3A_743 = arith.mulf %slice3A_739, %get3A_742 : vector<128x128xf32>
    %reduce_sum3A_744 = arith.constant dense<0.000000e+00> : vector<128xf32>
    %reduce_sum3A_745 = vector.multi_reduction <add>, %mul3A_743, %reduce_sum3A_744 [0] : vector<128x128xf32> to vector<128xf32>
    %add3A_746 = vector.broadcast %get3A_8 : f32 to vector<128xf32>
    %add3A_747 = arith.addf %reduce_sum3A_745, %add3A_746 : vector<128xf32>
    %swap3A_748 = arith.constant 0 : index
    %swap3A_749 = arith.constant 0 : index
    %swap3A_750 = arith.constant 6272 : index
    %swap3A_751 = vector.load %arg5[%swap3A_748, %swap3A_749, %swap3A_750] : memref<1x1x10000xf32, #tpu.memory_space<vmem>>, vector<1x1x128xf32>
    %swap3A_752 = vector.shape_cast %swap3A_751 : vector<1x1x128xf32> to vector<128xf32>
    %swap3A_753 = vector.shape_cast %add3A_747 : vector<128xf32> to vector<1x1x128xf32>
    tpu.vector_store %arg5[%swap3A_748, %swap3A_749, %swap3A_750], %swap3A_753 {strides = array<i32>} : memref<1x1x10000xf32, #tpu.memory_space<vmem>>, vector<1x1x128xf32>,
    %slice3A_754 = vector.extract_strided_slice %dot_general3A_5 {offsets = [6400, 0], sizes = [128, 128], strides = [1, 1]} : vector<10000x128xf32> to vector<128x128xf32>
    %get3A_755 = arith.constant 0 : index
    %get3A_756 = arith.constant 0 : index
    %get3A_757 = vector.load %arg3[%get3A_755, %get3A_756] : memref<128x128xf32, #tpu.memory_space<vmem>>, vector<128x128xf32>
    %mul3A_758 = arith.mulf %slice3A_754, %get3A_757 : vector<128x128xf32>
    %reduce_sum3A_759 = arith.constant dense<0.000000e+00> : vector<128xf32>
    %reduce_sum3A_760 = vector.multi_reduction <add>, %mul3A_758, %reduce_sum3A_759 [0] : vector<128x128xf32> to vector<128xf32>
    %add3A_761 = vector.broadcast %get3A_8 : f32 to vector<128xf32>
    %add3A_762 = arith.addf %reduce_sum3A_760, %add3A_761 : vector<128xf32>
    %swap3A_763 = arith.constant 0 : index
    %swap3A_764 = arith.constant 0 : index
    %swap3A_765 = arith.constant 6400 : index
    %swap3A_766 = vector.load %arg5[%swap3A_763, %swap3A_764, %swap3A_765] : memref<1x1x10000xf32, #tpu.memory_space<vmem>>, vector<1x1x128xf32>
    %swap3A_767 = vector.shape_cast %swap3A_766 : vector<1x1x128xf32> to vector<128xf32>
    %swap3A_768 = vector.shape_cast %add3A_762 : vector<128xf32> to vector<1x1x128xf32>
    tpu.vector_store %arg5[%swap3A_763, %swap3A_764, %swap3A_765], %swap3A_768 {strides = array<i32>} : memref<1x1x10000xf32, #tpu.memory_space<vmem>>, vector<1x1x128xf32>,
    %slice3A_769 = vector.extract_strided_slice %dot_general3A_5 {offsets = [6528, 0], sizes = [128, 128], strides = [1, 1]} : vector<10000x128xf32> to vector<128x128xf32>
    %get3A_770 = arith.constant 0 : index
    %get3A_771 = arith.constant 0 : index
    %get3A_772 = vector.load %arg3[%get3A_770, %get3A_771] : memref<128x128xf32, #tpu.memory_space<vmem>>, vector<128x128xf32>
    %mul3A_773 = arith.mulf %slice3A_769, %get3A_772 : vector<128x128xf32>
    %reduce_sum3A_774 = arith.constant dense<0.000000e+00> : vector<128xf32>
    %reduce_sum3A_775 = vector.multi_reduction <add>, %mul3A_773, %reduce_sum3A_774 [0] : vector<128x128xf32> to vector<128xf32>
    %add3A_776 = vector.broadcast %get3A_8 : f32 to vector<128xf32>
    %add3A_777 = arith.addf %reduce_sum3A_775, %add3A_776 : vector<128xf32>
    %swap3A_778 = arith.constant 0 : index
    %swap3A_779 = arith.constant 0 : index
    %swap3A_780 = arith.constant 6528 : index
    %swap3A_781 = vector.load %arg5[%swap3A_778, %swap3A_779, %swap3A_780] : memref<1x1x10000xf32, #tpu.memory_space<vmem>>, vector<1x1x128xf32>
    %swap3A_782 = vector.shape_cast %swap3A_781 : vector<1x1x128xf32> to vector<128xf32>
    %swap3A_783 = vector.shape_cast %add3A_777 : vector<128xf32> to vector<1x1x128xf32>
    tpu.vector_store %arg5[%swap3A_778, %swap3A_779, %swap3A_780], %swap3A_783 {strides = array<i32>} : memref<1x1x10000xf32, #tpu.memory_space<vmem>>, vector<1x1x128xf32>,
    %slice3A_784 = vector.extract_strided_slice %dot_general3A_5 {offsets = [6656, 0], sizes = [128, 128], strides = [1, 1]} : vector<10000x128xf32> to vector<128x128xf32>
    %get3A_785 = arith.constant 0 : index
    %get3A_786 = arith.constant 0 : index
    %get3A_787 = vector.load %arg3[%get3A_785, %get3A_786] : memref<128x128xf32, #tpu.memory_space<vmem>>, vector<128x128xf32>
    %mul3A_788 = arith.mulf %slice3A_784, %get3A_787 : vector<128x128xf32>
    %reduce_sum3A_789 = arith.constant dense<0.000000e+00> : vector<128xf32>
    %reduce_sum3A_790 = vector.multi_reduction <add>, %mul3A_788, %reduce_sum3A_789 [0] : vector<128x128xf32> to vector<128xf32>
    %add3A_791 = vector.broadcast %get3A_8 : f32 to vector<128xf32>
    %add3A_792 = arith.addf %reduce_sum3A_790, %add3A_791 : vector<128xf32>
    %swap3A_793 = arith.constant 0 : index
    %swap3A_794 = arith.constant 0 : index
    %swap3A_795 = arith.constant 6656 : index
    %swap3A_796 = vector.load %arg5[%swap3A_793, %swap3A_794, %swap3A_795] : memref<1x1x10000xf32, #tpu.memory_space<vmem>>, vector<1x1x128xf32>
    %swap3A_797 = vector.shape_cast %swap3A_796 : vector<1x1x128xf32> to vector<128xf32>
    %swap3A_798 = vector.shape_cast %add3A_792 : vector<128xf32> to vector<1x1x128xf32>
    tpu.vector_store %arg5[%swap3A_793, %swap3A_794, %swap3A_795], %swap3A_798 {strides = array<i32>} : memref<1x1x10000xf32, #tpu.memory_space<vmem>>, vector<1x1x128xf32>,
    %slice3A_799 = vector.extract_strided_slice %dot_general3A_5 {offsets = [6784, 0], sizes = [128, 128], strides = [1, 1]} : vector<10000x128xf32> to vector<128x128xf32>
    %get3A_800 = arith.constant 0 : index
    %get3A_801 = arith.constant 0 : index
    %get3A_802 = vector.load %arg3[%get3A_800, %get3A_801] : memref<128x128xf32, #tpu.memory_space<vmem>>, vector<128x128xf32>
    %mul3A_803 = arith.mulf %slice3A_799, %get3A_802 : vector<128x128xf32>
    %reduce_sum3A_804 = arith.constant dense<0.000000e+00> : vector<128xf32>
    %reduce_sum3A_805 = vector.multi_reduction <add>, %mul3A_803, %reduce_sum3A_804 [0] : vector<128x128xf32> to vector<128xf32>
    %add3A_806 = vector.broadcast %get3A_8 : f32 to vector<128xf32>
    %add3A_807 = arith.addf %reduce_sum3A_805, %add3A_806 : vector<128xf32>
    %swap3A_808 = arith.constant 0 : index
    %swap3A_809 = arith.constant 0 : index
    %swap3A_810 = arith.constant 6784 : index
    %swap3A_811 = vector.load %arg5[%swap3A_808, %swap3A_809, %swap3A_810] : memref<1x1x10000xf32, #tpu.memory_space<vmem>>, vector<1x1x128xf32>
    %swap3A_812 = vector.shape_cast %swap3A_811 : vector<1x1x128xf32> to vector<128xf32>
    %swap3A_813 = vector.shape_cast %add3A_807 : vector<128xf32> to vector<1x1x128xf32>
    tpu.vector_store %arg5[%swap3A_808, %swap3A_809, %swap3A_810], %swap3A_813 {strides = array<i32>} : memref<1x1x10000xf32, #tpu.memory_space<vmem>>, vector<1x1x128xf32>,
    %slice3A_814 = vector.extract_strided_slice %dot_general3A_5 {offsets = [6912, 0], sizes = [128, 128], strides = [1, 1]} : vector<10000x128xf32> to vector<128x128xf32>
    %get3A_815 = arith.constant 0 : index
    %get3A_816 = arith.constant 0 : index
    %get3A_817 = vector.load %arg3[%get3A_815, %get3A_816] : memref<128x128xf32, #tpu.memory_space<vmem>>, vector<128x128xf32>
    %mul3A_818 = arith.mulf %slice3A_814, %get3A_817 : vector<128x128xf32>
    %reduce_sum3A_819 = arith.constant dense<0.000000e+00> : vector<128xf32>
    %reduce_sum3A_820 = vector.multi_reduction <add>, %mul3A_818, %reduce_sum3A_819 [0] : vector<128x128xf32> to vector<128xf32>
    %add3A_821 = vector.broadcast %get3A_8 : f32 to vector<128xf32>
    %add3A_822 = arith.addf %reduce_sum3A_820, %add3A_821 : vector<128xf32>
    %swap3A_823 = arith.constant 0 : index
    %swap3A_824 = arith.constant 0 : index
    %swap3A_825 = arith.constant 6912 : index
    %swap3A_826 = vector.load %arg5[%swap3A_823, %swap3A_824, %swap3A_825] : memref<1x1x10000xf32, #tpu.memory_space<vmem>>, vector<1x1x128xf32>
    %swap3A_827 = vector.shape_cast %swap3A_826 : vector<1x1x128xf32> to vector<128xf32>
    %swap3A_828 = vector.shape_cast %add3A_822 : vector<128xf32> to vector<1x1x128xf32>
    tpu.vector_store %arg5[%swap3A_823, %swap3A_824, %swap3A_825], %swap3A_828 {strides = array<i32>} : memref<1x1x10000xf32, #tpu.memory_space<vmem>>, vector<1x1x128xf32>,
    %slice3A_829 = vector.extract_strided_slice %dot_general3A_5 {offsets = [7040, 0], sizes = [128, 128], strides = [1, 1]} : vector<10000x128xf32> to vector<128x128xf32>
    %get3A_830 = arith.constant 0 : index
    %get3A_831 = arith.constant 0 : index
    %get3A_832 = vector.load %arg3[%get3A_830, %get3A_831] : memref<128x128xf32, #tpu.memory_space<vmem>>, vector<128x128xf32>
    %mul3A_833 = arith.mulf %slice3A_829, %get3A_832 : vector<128x128xf32>
    %reduce_sum3A_834 = arith.constant dense<0.000000e+00> : vector<128xf32>
    %reduce_sum3A_835 = vector.multi_reduction <add>, %mul3A_833, %reduce_sum3A_834 [0] : vector<128x128xf32> to vector<128xf32>
    %add3A_836 = vector.broadcast %get3A_8 : f32 to vector<128xf32>
    %add3A_837 = arith.addf %reduce_sum3A_835, %add3A_836 : vector<128xf32>
    %swap3A_838 = arith.constant 0 : index
    %swap3A_839 = arith.constant 0 : index
    %swap3A_840 = arith.constant 7040 : index
    %swap3A_841 = vector.load %arg5[%swap3A_838, %swap3A_839, %swap3A_840] : memref<1x1x10000xf32, #tpu.memory_space<vmem>>, vector<1x1x128xf32>
    %swap3A_842 = vector.shape_cast %swap3A_841 : vector<1x1x128xf32> to vector<128xf32>
    %swap3A_843 = vector.shape_cast %add3A_837 : vector<128xf32> to vector<1x1x128xf32>
    tpu.vector_store %arg5[%swap3A_838, %swap3A_839, %swap3A_840], %swap3A_843 {strides = array<i32>} : memref<1x1x10000xf32, #tpu.memory_space<vmem>>, vector<1x1x128xf32>,
    %slice3A_844 = vector.extract_strided_slice %dot_general3A_5 {offsets = [7168, 0], sizes = [128, 128], strides = [1, 1]} : vector<10000x128xf32> to vector<128x128xf32>
    %get3A_845 = arith.constant 0 : index
    %get3A_846 = arith.constant 0 : index
    %get3A_847 = vector.load %arg3[%get3A_845, %get3A_846] : memref<128x128xf32, #tpu.memory_space<vmem>>, vector<128x128xf32>
    %mul3A_848 = arith.mulf %slice3A_844, %get3A_847 : vector<128x128xf32>
    %reduce_sum3A_849 = arith.constant dense<0.000000e+00> : vector<128xf32>
    %reduce_sum3A_850 = vector.multi_reduction <add>, %mul3A_848, %reduce_sum3A_849 [0] : vector<128x128xf32> to vector<128xf32>
    %add3A_851 = vector.broadcast %get3A_8 : f32 to vector<128xf32>
    %add3A_852 = arith.addf %reduce_sum3A_850, %add3A_851 : vector<128xf32>
    %swap3A_853 = arith.constant 0 : index
    %swap3A_854 = arith.constant 0 : index
    %swap3A_855 = arith.constant 7168 : index
    %swap3A_856 = vector.load %arg5[%swap3A_853, %swap3A_854, %swap3A_855] : memref<1x1x10000xf32, #tpu.memory_space<vmem>>, vector<1x1x128xf32>
    %swap3A_857 = vector.shape_cast %swap3A_856 : vector<1x1x128xf32> to vector<128xf32>
    %swap3A_858 = vector.shape_cast %add3A_852 : vector<128xf32> to vector<1x1x128xf32>
    tpu.vector_store %arg5[%swap3A_853, %swap3A_854, %swap3A_855], %swap3A_858 {strides = array<i32>} : memref<1x1x10000xf32, #tpu.memory_space<vmem>>, vector<1x1x128xf32>,
    %slice3A_859 = vector.extract_strided_slice %dot_general3A_5 {offsets = [7296, 0], sizes = [128, 128], strides = [1, 1]} : vector<10000x128xf32> to vector<128x128xf32>
    %get3A_860 = arith.constant 0 : index
    %get3A_861 = arith.constant 0 : index
    %get3A_862 = vector.load %arg3[%get3A_860, %get3A_861] : memref<128x128xf32, #tpu.memory_space<vmem>>, vector<128x128xf32>
    %mul3A_863 = arith.mulf %slice3A_859, %get3A_862 : vector<128x128xf32>
    %reduce_sum3A_864 = arith.constant dense<0.000000e+00> : vector<128xf32>
    %reduce_sum3A_865 = vector.multi_reduction <add>, %mul3A_863, %reduce_sum3A_864 [0] : vector<128x128xf32> to vector<128xf32>
    %add3A_866 = vector.broadcast %get3A_8 : f32 to vector<128xf32>
    %add3A_867 = arith.addf %reduce_sum3A_865, %add3A_866 : vector<128xf32>
    %swap3A_868 = arith.constant 0 : index
    %swap3A_869 = arith.constant 0 : index
    %swap3A_870 = arith.constant 7296 : index
    %swap3A_871 = vector.load %arg5[%swap3A_868, %swap3A_869, %swap3A_870] : memref<1x1x10000xf32, #tpu.memory_space<vmem>>, vector<1x1x128xf32>
    %swap3A_872 = vector.shape_cast %swap3A_871 : vector<1x1x128xf32> to vector<128xf32>
    %swap3A_873 = vector.shape_cast %add3A_867 : vector<128xf32> to vector<1x1x128xf32>
    tpu.vector_store %arg5[%swap3A_868, %swap3A_869, %swap3A_870], %swap3A_873 {strides = array<i32>} : memref<1x1x10000xf32, #tpu.memory_space<vmem>>, vector<1x1x128xf32>,
    %slice3A_874 = vector.extract_strided_slice %dot_general3A_5 {offsets = [7424, 0], sizes = [128, 128], strides = [1, 1]} : vector<10000x128xf32> to vector<128x128xf32>
    %get3A_875 = arith.constant 0 : index
    %get3A_876 = arith.constant 0 : index
    %get3A_877 = vector.load %arg3[%get3A_875, %get3A_876] : memref<128x128xf32, #tpu.memory_space<vmem>>, vector<128x128xf32>
    %mul3A_878 = arith.mulf %slice3A_874, %get3A_877 : vector<128x128xf32>
    %reduce_sum3A_879 = arith.constant dense<0.000000e+00> : vector<128xf32>
    %reduce_sum3A_880 = vector.multi_reduction <add>, %mul3A_878, %reduce_sum3A_879 [0] : vector<128x128xf32> to vector<128xf32>
    %add3A_881 = vector.broadcast %get3A_8 : f32 to vector<128xf32>
    %add3A_882 = arith.addf %reduce_sum3A_880, %add3A_881 : vector<128xf32>
    %swap3A_883 = arith.constant 0 : index
    %swap3A_884 = arith.constant 0 : index
    %swap3A_885 = arith.constant 7424 : index
    %swap3A_886 = vector.load %arg5[%swap3A_883, %swap3A_884, %swap3A_885] : memref<1x1x10000xf32, #tpu.memory_space<vmem>>, vector<1x1x128xf32>
    %swap3A_887 = vector.shape_cast %swap3A_886 : vector<1x1x128xf32> to vector<128xf32>
    %swap3A_888 = vector.shape_cast %add3A_882 : vector<128xf32> to vector<1x1x128xf32>
    tpu.vector_store %arg5[%swap3A_883, %swap3A_884, %swap3A_885], %swap3A_888 {strides = array<i32>} : memref<1x1x10000xf32, #tpu.memory_space<vmem>>, vector<1x1x128xf32>,
    %slice3A_889 = vector.extract_strided_slice %dot_general3A_5 {offsets = [7552, 0], sizes = [128, 128], strides = [1, 1]} : vector<10000x128xf32> to vector<128x128xf32>
    %get3A_890 = arith.constant 0 : index
    %get3A_891 = arith.constant 0 : index
    %get3A_892 = vector.load %arg3[%get3A_890, %get3A_891] : memref<128x128xf32, #tpu.memory_space<vmem>>, vector<128x128xf32>
    %mul3A_893 = arith.mulf %slice3A_889, %get3A_892 : vector<128x128xf32>
    %reduce_sum3A_894 = arith.constant dense<0.000000e+00> : vector<128xf32>
    %reduce_sum3A_895 = vector.multi_reduction <add>, %mul3A_893, %reduce_sum3A_894 [0] : vector<128x128xf32> to vector<128xf32>
    %add3A_896 = vector.broadcast %get3A_8 : f32 to vector<128xf32>
    %add3A_897 = arith.addf %reduce_sum3A_895, %add3A_896 : vector<128xf32>
    %swap3A_898 = arith.constant 0 : index
    %swap3A_899 = arith.constant 0 : index
    %swap3A_900 = arith.constant 7552 : index
    %swap3A_901 = vector.load %arg5[%swap3A_898, %swap3A_899, %swap3A_900] : memref<1x1x10000xf32, #tpu.memory_space<vmem>>, vector<1x1x128xf32>
    %swap3A_902 = vector.shape_cast %swap3A_901 : vector<1x1x128xf32> to vector<128xf32>
    %swap3A_903 = vector.shape_cast %add3A_897 : vector<128xf32> to vector<1x1x128xf32>
    tpu.vector_store %arg5[%swap3A_898, %swap3A_899, %swap3A_900], %swap3A_903 {strides = array<i32>} : memref<1x1x10000xf32, #tpu.memory_space<vmem>>, vector<1x1x128xf32>,
    %slice3A_904 = vector.extract_strided_slice %dot_general3A_5 {offsets = [7680, 0], sizes = [128, 128], strides = [1, 1]} : vector<10000x128xf32> to vector<128x128xf32>
    %get3A_905 = arith.constant 0 : index
    %get3A_906 = arith.constant 0 : index
    %get3A_907 = vector.load %arg3[%get3A_905, %get3A_906] : memref<128x128xf32, #tpu.memory_space<vmem>>, vector<128x128xf32>
    %mul3A_908 = arith.mulf %slice3A_904, %get3A_907 : vector<128x128xf32>
    %reduce_sum3A_909 = arith.constant dense<0.000000e+00> : vector<128xf32>
    %reduce_sum3A_910 = vector.multi_reduction <add>, %mul3A_908, %reduce_sum3A_909 [0] : vector<128x128xf32> to vector<128xf32>
    %add3A_911 = vector.broadcast %get3A_8 : f32 to vector<128xf32>
    %add3A_912 = arith.addf %reduce_sum3A_910, %add3A_911 : vector<128xf32>
    %swap3A_913 = arith.constant 0 : index
    %swap3A_914 = arith.constant 0 : index
    %swap3A_915 = arith.constant 7680 : index
    %swap3A_916 = vector.load %arg5[%swap3A_913, %swap3A_914, %swap3A_915] : memref<1x1x10000xf32, #tpu.memory_space<vmem>>, vector<1x1x128xf32>
    %swap3A_917 = vector.shape_cast %swap3A_916 : vector<1x1x128xf32> to vector<128xf32>
    %swap3A_918 = vector.shape_cast %add3A_912 : vector<128xf32> to vector<1x1x128xf32>
    tpu.vector_store %arg5[%swap3A_913, %swap3A_914, %swap3A_915], %swap3A_918 {strides = array<i32>} : memref<1x1x10000xf32, #tpu.memory_space<vmem>>, vector<1x1x128xf32>,
    %slice3A_919 = vector.extract_strided_slice %dot_general3A_5 {offsets = [7808, 0], sizes = [128, 128], strides = [1, 1]} : vector<10000x128xf32> to vector<128x128xf32>
    %get3A_920 = arith.constant 0 : index
    %get3A_921 = arith.constant 0 : index
    %get3A_922 = vector.load %arg3[%get3A_920, %get3A_921] : memref<128x128xf32, #tpu.memory_space<vmem>>, vector<128x128xf32>
    %mul3A_923 = arith.mulf %slice3A_919, %get3A_922 : vector<128x128xf32>
    %reduce_sum3A_924 = arith.constant dense<0.000000e+00> : vector<128xf32>
    %reduce_sum3A_925 = vector.multi_reduction <add>, %mul3A_923, %reduce_sum3A_924 [0] : vector<128x128xf32> to vector<128xf32>
    %add3A_926 = vector.broadcast %get3A_8 : f32 to vector<128xf32>
    %add3A_927 = arith.addf %reduce_sum3A_925, %add3A_926 : vector<128xf32>
    %swap3A_928 = arith.constant 0 : index
    %swap3A_929 = arith.constant 0 : index
    %swap3A_930 = arith.constant 7808 : index
    %swap3A_931 = vector.load %arg5[%swap3A_928, %swap3A_929, %swap3A_930] : memref<1x1x10000xf32, #tpu.memory_space<vmem>>, vector<1x1x128xf32>
    %swap3A_932 = vector.shape_cast %swap3A_931 : vector<1x1x128xf32> to vector<128xf32>
    %swap3A_933 = vector.shape_cast %add3A_927 : vector<128xf32> to vector<1x1x128xf32>
    tpu.vector_store %arg5[%swap3A_928, %swap3A_929, %swap3A_930], %swap3A_933 {strides = array<i32>} : memref<1x1x10000xf32, #tpu.memory_space<vmem>>, vector<1x1x128xf32>,
    %slice3A_934 = vector.extract_strided_slice %dot_general3A_5 {offsets = [7936, 0], sizes = [128, 128], strides = [1, 1]} : vector<10000x128xf32> to vector<128x128xf32>
    %get3A_935 = arith.constant 0 : index
    %get3A_936 = arith.constant 0 : index
    %get3A_937 = vector.load %arg3[%get3A_935, %get3A_936] : memref<128x128xf32, #tpu.memory_space<vmem>>, vector<128x128xf32>
    %mul3A_938 = arith.mulf %slice3A_934, %get3A_937 : vector<128x128xf32>
    %reduce_sum3A_939 = arith.constant dense<0.000000e+00> : vector<128xf32>
    %reduce_sum3A_940 = vector.multi_reduction <add>, %mul3A_938, %reduce_sum3A_939 [0] : vector<128x128xf32> to vector<128xf32>
    %add3A_941 = vector.broadcast %get3A_8 : f32 to vector<128xf32>
    %add3A_942 = arith.addf %reduce_sum3A_940, %add3A_941 : vector<128xf32>
    %swap3A_943 = arith.constant 0 : index
    %swap3A_944 = arith.constant 0 : index
    %swap3A_945 = arith.constant 7936 : index
    %swap3A_946 = vector.load %arg5[%swap3A_943, %swap3A_944, %swap3A_945] : memref<1x1x10000xf32, #tpu.memory_space<vmem>>, vector<1x1x128xf32>
    %swap3A_947 = vector.shape_cast %swap3A_946 : vector<1x1x128xf32> to vector<128xf32>
    %swap3A_948 = vector.shape_cast %add3A_942 : vector<128xf32> to vector<1x1x128xf32>
    tpu.vector_store %arg5[%swap3A_943, %swap3A_944, %swap3A_945], %swap3A_948 {strides = array<i32>} : memref<1x1x10000xf32, #tpu.memory_space<vmem>>, vector<1x1x128xf32>,
    %slice3A_949 = vector.extract_strided_slice %dot_general3A_5 {offsets = [8064, 0], sizes = [128, 128], strides = [1, 1]} : vector<10000x128xf32> to vector<128x128xf32>
    %get3A_950 = arith.constant 0 : index
    %get3A_951 = arith.constant 0 : index
    %get3A_952 = vector.load %arg3[%get3A_950, %get3A_951] : memref<128x128xf32, #tpu.memory_space<vmem>>, vector<128x128xf32>
    %mul3A_953 = arith.mulf %slice3A_949, %get3A_952 : vector<128x128xf32>
    %reduce_sum3A_954 = arith.constant dense<0.000000e+00> : vector<128xf32>
    %reduce_sum3A_955 = vector.multi_reduction <add>, %mul3A_953, %reduce_sum3A_954 [0] : vector<128x128xf32> to vector<128xf32>
    %add3A_956 = vector.broadcast %get3A_8 : f32 to vector<128xf32>
    %add3A_957 = arith.addf %reduce_sum3A_955, %add3A_956 : vector<128xf32>
    %swap3A_958 = arith.constant 0 : index
    %swap3A_959 = arith.constant 0 : index
    %swap3A_960 = arith.constant 8064 : index
    %swap3A_961 = vector.load %arg5[%swap3A_958, %swap3A_959, %swap3A_960] : memref<1x1x10000xf32, #tpu.memory_space<vmem>>, vector<1x1x128xf32>
    %swap3A_962 = vector.shape_cast %swap3A_961 : vector<1x1x128xf32> to vector<128xf32>
    %swap3A_963 = vector.shape_cast %add3A_957 : vector<128xf32> to vector<1x1x128xf32>
    tpu.vector_store %arg5[%swap3A_958, %swap3A_959, %swap3A_960], %swap3A_963 {strides = array<i32>} : memref<1x1x10000xf32, #tpu.memory_space<vmem>>, vector<1x1x128xf32>,
    %slice3A_964 = vector.extract_strided_slice %dot_general3A_5 {offsets = [8192, 0], sizes = [128, 128], strides = [1, 1]} : vector<10000x128xf32> to vector<128x128xf32>
    %get3A_965 = arith.constant 0 : index
    %get3A_966 = arith.constant 0 : index
    %get3A_967 = vector.load %arg3[%get3A_965, %get3A_966] : memref<128x128xf32, #tpu.memory_space<vmem>>, vector<128x128xf32>
    %mul3A_968 = arith.mulf %slice3A_964, %get3A_967 : vector<128x128xf32>
    %reduce_sum3A_969 = arith.constant dense<0.000000e+00> : vector<128xf32>
    %reduce_sum3A_970 = vector.multi_reduction <add>, %mul3A_968, %reduce_sum3A_969 [0] : vector<128x128xf32> to vector<128xf32>
    %add3A_971 = vector.broadcast %get3A_8 : f32 to vector<128xf32>
    %add3A_972 = arith.addf %reduce_sum3A_970, %add3A_971 : vector<128xf32>
    %swap3A_973 = arith.constant 0 : index
    %swap3A_974 = arith.constant 0 : index
    %swap3A_975 = arith.constant 8192 : index
    %swap3A_976 = vector.load %arg5[%swap3A_973, %swap3A_974, %swap3A_975] : memref<1x1x10000xf32, #tpu.memory_space<vmem>>, vector<1x1x128xf32>
    %swap3A_977 = vector.shape_cast %swap3A_976 : vector<1x1x128xf32> to vector<128xf32>
    %swap3A_978 = vector.shape_cast %add3A_972 : vector<128xf32> to vector<1x1x128xf32>
    tpu.vector_store %arg5[%swap3A_973, %swap3A_974, %swap3A_975], %swap3A_978 {strides = array<i32>} : memref<1x1x10000xf32, #tpu.memory_space<vmem>>, vector<1x1x128xf32>,
    %slice3A_979 = vector.extract_strided_slice %dot_general3A_5 {offsets = [8320, 0], sizes = [128, 128], strides = [1, 1]} : vector<10000x128xf32> to vector<128x128xf32>
    %get3A_980 = arith.constant 0 : index
    %get3A_981 = arith.constant 0 : index
    %get3A_982 = vector.load %arg3[%get3A_980, %get3A_981] : memref<128x128xf32, #tpu.memory_space<vmem>>, vector<128x128xf32>
    %mul3A_983 = arith.mulf %slice3A_979, %get3A_982 : vector<128x128xf32>
    %reduce_sum3A_984 = arith.constant dense<0.000000e+00> : vector<128xf32>
    %reduce_sum3A_985 = vector.multi_reduction <add>, %mul3A_983, %reduce_sum3A_984 [0] : vector<128x128xf32> to vector<128xf32>
    %add3A_986 = vector.broadcast %get3A_8 : f32 to vector<128xf32>
    %add3A_987 = arith.addf %reduce_sum3A_985, %add3A_986 : vector<128xf32>
    %swap3A_988 = arith.constant 0 : index
    %swap3A_989 = arith.constant 0 : index
    %swap3A_990 = arith.constant 8320 : index
    %swap3A_991 = vector.load %arg5[%swap3A_988, %swap3A_989, %swap3A_990] : memref<1x1x10000xf32, #tpu.memory_space<vmem>>, vector<1x1x128xf32>
    %swap3A_992 = vector.shape_cast %swap3A_991 : vector<1x1x128xf32> to vector<128xf32>
    %swap3A_993 = vector.shape_cast %add3A_987 : vector<128xf32> to vector<1x1x128xf32>
    tpu.vector_store %arg5[%swap3A_988, %swap3A_989, %swap3A_990], %swap3A_993 {strides = array<i32>} : memref<1x1x10000xf32, #tpu.memory_space<vmem>>, vector<1x1x128xf32>,
    %slice3A_994 = vector.extract_strided_slice %dot_general3A_5 {offsets = [8448, 0], sizes = [128, 128], strides = [1, 1]} : vector<10000x128xf32> to vector<128x128xf32>
    %get3A_995 = arith.constant 0 : index
    %get3A_996 = arith.constant 0 : index
    %get3A_997 = vector.load %arg3[%get3A_995, %get3A_996] : memref<128x128xf32, #tpu.memory_space<vmem>>, vector<128x128xf32>
    %mul3A_998 = arith.mulf %slice3A_994, %get3A_997 : vector<128x128xf32>
    %reduce_sum3A_999 = arith.constant dense<0.000000e+00> : vector<128xf32>
    %reduce_sum3A_1000 = vector.multi_reduction <add>, %mul3A_998, %reduce_sum3A_999 [0] : vector<128x128xf32> to vector<128xf32>
    %add3A_1001 = vector.broadcast %get3A_8 : f32 to vector<128xf32>
    %add3A_1002 = arith.addf %reduce_sum3A_1000, %add3A_1001 : vector<128xf32>
    %swap3A_1003 = arith.constant 0 : index
    %swap3A_1004 = arith.constant 0 : index
    %swap3A_1005 = arith.constant 8448 : index
    %swap3A_1006 = vector.load %arg5[%swap3A_1003, %swap3A_1004, %swap3A_1005] : memref<1x1x10000xf32, #tpu.memory_space<vmem>>, vector<1x1x128xf32>
    %swap3A_1007 = vector.shape_cast %swap3A_1006 : vector<1x1x128xf32> to vector<128xf32>
    %swap3A_1008 = vector.shape_cast %add3A_1002 : vector<128xf32> to vector<1x1x128xf32>
    tpu.vector_store %arg5[%swap3A_1003, %swap3A_1004, %swap3A_1005], %swap3A_1008 {strides = array<i32>} : memref<1x1x10000xf32, #tpu.memory_space<vmem>>, vector<1x1x128xf32>,
    %slice3A_1009 = vector.extract_strided_slice %dot_general3A_5 {offsets = [8576, 0], sizes = [128, 128], strides = [1, 1]} : vector<10000x128xf32> to vector<128x128xf32>
    %get3A_1010 = arith.constant 0 : index
    %get3A_1011 = arith.constant 0 : index
    %get3A_1012 = vector.load %arg3[%get3A_1010, %get3A_1011] : memref<128x128xf32, #tpu.memory_space<vmem>>, vector<128x128xf32>
    %mul3A_1013 = arith.mulf %slice3A_1009, %get3A_1012 : vector<128x128xf32>
    %reduce_sum3A_1014 = arith.constant dense<0.000000e+00> : vector<128xf32>
    %reduce_sum3A_1015 = vector.multi_reduction <add>, %mul3A_1013, %reduce_sum3A_1014 [0] : vector<128x128xf32> to vector<128xf32>
    %add3A_1016 = vector.broadcast %get3A_8 : f32 to vector<128xf32>
    %add3A_1017 = arith.addf %reduce_sum3A_1015, %add3A_1016 : vector<128xf32>
    %swap3A_1018 = arith.constant 0 : index
    %swap3A_1019 = arith.constant 0 : index
    %swap3A_1020 = arith.constant 8576 : index
    %swap3A_1021 = vector.load %arg5[%swap3A_1018, %swap3A_1019, %swap3A_1020] : memref<1x1x10000xf32, #tpu.memory_space<vmem>>, vector<1x1x128xf32>
    %swap3A_1022 = vector.shape_cast %swap3A_1021 : vector<1x1x128xf32> to vector<128xf32>
    %swap3A_1023 = vector.shape_cast %add3A_1017 : vector<128xf32> to vector<1x1x128xf32>
    tpu.vector_store %arg5[%swap3A_1018, %swap3A_1019, %swap3A_1020], %swap3A_1023 {strides = array<i32>} : memref<1x1x10000xf32, #tpu.memory_space<vmem>>, vector<1x1x128xf32>,
    %slice3A_1024 = vector.extract_strided_slice %dot_general3A_5 {offsets = [8704, 0], sizes = [128, 128], strides = [1, 1]} : vector<10000x128xf32> to vector<128x128xf32>
    %get3A_1025 = arith.constant 0 : index
    %get3A_1026 = arith.constant 0 : index
    %get3A_1027 = vector.load %arg3[%get3A_1025, %get3A_1026] : memref<128x128xf32, #tpu.memory_space<vmem>>, vector<128x128xf32>
    %mul3A_1028 = arith.mulf %slice3A_1024, %get3A_1027 : vector<128x128xf32>
    %reduce_sum3A_1029 = arith.constant dense<0.000000e+00> : vector<128xf32>
    %reduce_sum3A_1030 = vector.multi_reduction <add>, %mul3A_1028, %reduce_sum3A_1029 [0] : vector<128x128xf32> to vector<128xf32>
    %add3A_1031 = vector.broadcast %get3A_8 : f32 to vector<128xf32>
    %add3A_1032 = arith.addf %reduce_sum3A_1030, %add3A_1031 : vector<128xf32>
    %swap3A_1033 = arith.constant 0 : index
    %swap3A_1034 = arith.constant 0 : index
    %swap3A_1035 = arith.constant 8704 : index
    %swap3A_1036 = vector.load %arg5[%swap3A_1033, %swap3A_1034, %swap3A_1035] : memref<1x1x10000xf32, #tpu.memory_space<vmem>>, vector<1x1x128xf32>
    %swap3A_1037 = vector.shape_cast %swap3A_1036 : vector<1x1x128xf32> to vector<128xf32>
    %swap3A_1038 = vector.shape_cast %add3A_1032 : vector<128xf32> to vector<1x1x128xf32>
    tpu.vector_store %arg5[%swap3A_1033, %swap3A_1034, %swap3A_1035], %swap3A_1038 {strides = array<i32>} : memref<1x1x10000xf32, #tpu.memory_space<vmem>>, vector<1x1x128xf32>,
    %slice3A_1039 = vector.extract_strided_slice %dot_general3A_5 {offsets = [8832, 0], sizes = [128, 128], strides = [1, 1]} : vector<10000x128xf32> to vector<128x128xf32>
    %get3A_1040 = arith.constant 0 : index
    %get3A_1041 = arith.constant 0 : index
    %get3A_1042 = vector.load %arg3[%get3A_1040, %get3A_1041] : memref<128x128xf32, #tpu.memory_space<vmem>>, vector<128x128xf32>
    %mul3A_1043 = arith.mulf %slice3A_1039, %get3A_1042 : vector<128x128xf32>
    %reduce_sum3A_1044 = arith.constant dense<0.000000e+00> : vector<128xf32>
    %reduce_sum3A_1045 = vector.multi_reduction <add>, %mul3A_1043, %reduce_sum3A_1044 [0] : vector<128x128xf32> to vector<128xf32>
    %add3A_1046 = vector.broadcast %get3A_8 : f32 to vector<128xf32>
    %add3A_1047 = arith.addf %reduce_sum3A_1045, %add3A_1046 : vector<128xf32>
    %swap3A_1048 = arith.constant 0 : index
    %swap3A_1049 = arith.constant 0 : index
    %swap3A_1050 = arith.constant 8832 : index
    %swap3A_1051 = vector.load %arg5[%swap3A_1048, %swap3A_1049, %swap3A_1050] : memref<1x1x10000xf32, #tpu.memory_space<vmem>>, vector<1x1x128xf32>
    %swap3A_1052 = vector.shape_cast %swap3A_1051 : vector<1x1x128xf32> to vector<128xf32>
    %swap3A_1053 = vector.shape_cast %add3A_1047 : vector<128xf32> to vector<1x1x128xf32>
    tpu.vector_store %arg5[%swap3A_1048, %swap3A_1049, %swap3A_1050], %swap3A_1053 {strides = array<i32>} : memref<1x1x10000xf32, #tpu.memory_space<vmem>>, vector<1x1x128xf32>,
    %slice3A_1054 = vector.extract_strided_slice %dot_general3A_5 {offsets = [8960, 0], sizes = [128, 128], strides = [1, 1]} : vector<10000x128xf32> to vector<128x128xf32>
    %get3A_1055 = arith.constant 0 : index
    %get3A_1056 = arith.constant 0 : index
    %get3A_1057 = vector.load %arg3[%get3A_1055, %get3A_1056] : memref<128x128xf32, #tpu.memory_space<vmem>>, vector<128x128xf32>
    %mul3A_1058 = arith.mulf %slice3A_1054, %get3A_1057 : vector<128x128xf32>
    %reduce_sum3A_1059 = arith.constant dense<0.000000e+00> : vector<128xf32>
    %reduce_sum3A_1060 = vector.multi_reduction <add>, %mul3A_1058, %reduce_sum3A_1059 [0] : vector<128x128xf32> to vector<128xf32>
    %add3A_1061 = vector.broadcast %get3A_8 : f32 to vector<128xf32>
    %add3A_1062 = arith.addf %reduce_sum3A_1060, %add3A_1061 : vector<128xf32>
    %swap3A_1063 = arith.constant 0 : index
    %swap3A_1064 = arith.constant 0 : index
    %swap3A_1065 = arith.constant 8960 : index
    %swap3A_1066 = vector.load %arg5[%swap3A_1063, %swap3A_1064, %swap3A_1065] : memref<1x1x10000xf32, #tpu.memory_space<vmem>>, vector<1x1x128xf32>
    %swap3A_1067 = vector.shape_cast %swap3A_1066 : vector<1x1x128xf32> to vector<128xf32>
    %swap3A_1068 = vector.shape_cast %add3A_1062 : vector<128xf32> to vector<1x1x128xf32>
    tpu.vector_store %arg5[%swap3A_1063, %swap3A_1064, %swap3A_1065], %swap3A_1068 {strides = array<i32>} : memref<1x1x10000xf32, #tpu.memory_space<vmem>>, vector<1x1x128xf32>,
    %slice3A_1069 = vector.extract_strided_slice %dot_general3A_5 {offsets = [9088, 0], sizes = [128, 128], strides = [1, 1]} : vector<10000x128xf32> to vector<128x128xf32>
    %get3A_1070 = arith.constant 0 : index
    %get3A_1071 = arith.constant 0 : index
    %get3A_1072 = vector.load %arg3[%get3A_1070, %get3A_1071] : memref<128x128xf32, #tpu.memory_space<vmem>>, vector<128x128xf32>
    %mul3A_1073 = arith.mulf %slice3A_1069, %get3A_1072 : vector<128x128xf32>
    %reduce_sum3A_1074 = arith.constant dense<0.000000e+00> : vector<128xf32>
    %reduce_sum3A_1075 = vector.multi_reduction <add>, %mul3A_1073, %reduce_sum3A_1074 [0] : vector<128x128xf32> to vector<128xf32>
    %add3A_1076 = vector.broadcast %get3A_8 : f32 to vector<128xf32>
    %add3A_1077 = arith.addf %reduce_sum3A_1075, %add3A_1076 : vector<128xf32>
    %swap3A_1078 = arith.constant 0 : index
    %swap3A_1079 = arith.constant 0 : index
    %swap3A_1080 = arith.constant 9088 : index
    %swap3A_1081 = vector.load %arg5[%swap3A_1078, %swap3A_1079, %swap3A_1080] : memref<1x1x10000xf32, #tpu.memory_space<vmem>>, vector<1x1x128xf32>
    %swap3A_1082 = vector.shape_cast %swap3A_1081 : vector<1x1x128xf32> to vector<128xf32>
    %swap3A_1083 = vector.shape_cast %add3A_1077 : vector<128xf32> to vector<1x1x128xf32>
    tpu.vector_store %arg5[%swap3A_1078, %swap3A_1079, %swap3A_1080], %swap3A_1083 {strides = array<i32>} : memref<1x1x10000xf32, #tpu.memory_space<vmem>>, vector<1x1x128xf32>,
    %slice3A_1084 = vector.extract_strided_slice %dot_general3A_5 {offsets = [9216, 0], sizes = [128, 128], strides = [1, 1]} : vector<10000x128xf32> to vector<128x128xf32>
    %get3A_1085 = arith.constant 0 : index
    %get3A_1086 = arith.constant 0 : index
    %get3A_1087 = vector.load %arg3[%get3A_1085, %get3A_1086] : memref<128x128xf32, #tpu.memory_space<vmem>>, vector<128x128xf32>
    %mul3A_1088 = arith.mulf %slice3A_1084, %get3A_1087 : vector<128x128xf32>
    %reduce_sum3A_1089 = arith.constant dense<0.000000e+00> : vector<128xf32>
    %reduce_sum3A_1090 = vector.multi_reduction <add>, %mul3A_1088, %reduce_sum3A_1089 [0] : vector<128x128xf32> to vector<128xf32>
    %add3A_1091 = vector.broadcast %get3A_8 : f32 to vector<128xf32>
    %add3A_1092 = arith.addf %reduce_sum3A_1090, %add3A_1091 : vector<128xf32>
    %swap3A_1093 = arith.constant 0 : index
    %swap3A_1094 = arith.constant 0 : index
    %swap3A_1095 = arith.constant 9216 : index
    %swap3A_1096 = vector.load %arg5[%swap3A_1093, %swap3A_1094, %swap3A_1095] : memref<1x1x10000xf32, #tpu.memory_space<vmem>>, vector<1x1x128xf32>
    %swap3A_1097 = vector.shape_cast %swap3A_1096 : vector<1x1x128xf32> to vector<128xf32>
    %swap3A_1098 = vector.shape_cast %add3A_1092 : vector<128xf32> to vector<1x1x128xf32>
    tpu.vector_store %arg5[%swap3A_1093, %swap3A_1094, %swap3A_1095], %swap3A_1098 {strides = array<i32>} : memref<1x1x10000xf32, #tpu.memory_space<vmem>>, vector<1x1x128xf32>,
    %slice3A_1099 = vector.extract_strided_slice %dot_general3A_5 {offsets = [9344, 0], sizes = [128, 128], strides = [1, 1]} : vector<10000x128xf32> to vector<128x128xf32>
    %get3A_1100 = arith.constant 0 : index
    %get3A_1101 = arith.constant 0 : index
    %get3A_1102 = vector.load %arg3[%get3A_1100, %get3A_1101] : memref<128x128xf32, #tpu.memory_space<vmem>>, vector<128x128xf32>
    %mul3A_1103 = arith.mulf %slice3A_1099, %get3A_1102 : vector<128x128xf32>
    %reduce_sum3A_1104 = arith.constant dense<0.000000e+00> : vector<128xf32>
    %reduce_sum3A_1105 = vector.multi_reduction <add>, %mul3A_1103, %reduce_sum3A_1104 [0] : vector<128x128xf32> to vector<128xf32>
    %add3A_1106 = vector.broadcast %get3A_8 : f32 to vector<128xf32>
    %add3A_1107 = arith.addf %reduce_sum3A_1105, %add3A_1106 : vector<128xf32>
    %swap3A_1108 = arith.constant 0 : index
    %swap3A_1109 = arith.constant 0 : index
    %swap3A_1110 = arith.constant 9344 : index
    %swap3A_1111 = vector.load %arg5[%swap3A_1108, %swap3A_1109, %swap3A_1110] : memref<1x1x10000xf32, #tpu.memory_space<vmem>>, vector<1x1x128xf32>
    %swap3A_1112 = vector.shape_cast %swap3A_1111 : vector<1x1x128xf32> to vector<128xf32>
    %swap3A_1113 = vector.shape_cast %add3A_1107 : vector<128xf32> to vector<1x1x128xf32>
    tpu.vector_store %arg5[%swap3A_1108, %swap3A_1109, %swap3A_1110], %swap3A_1113 {strides = array<i32>} : memref<1x1x10000xf32, #tpu.memory_space<vmem>>, vector<1x1x128xf32>,
    %slice3A_1114 = vector.extract_strided_slice %dot_general3A_5 {offsets = [9472, 0], sizes = [128, 128], strides = [1, 1]} : vector<10000x128xf32> to vector<128x128xf32>
    %get3A_1115 = arith.constant 0 : index
    %get3A_1116 = arith.constant 0 : index
    %get3A_1117 = vector.load %arg3[%get3A_1115, %get3A_1116] : memref<128x128xf32, #tpu.memory_space<vmem>>, vector<128x128xf32>
    %mul3A_1118 = arith.mulf %slice3A_1114, %get3A_1117 : vector<128x128xf32>
    %reduce_sum3A_1119 = arith.constant dense<0.000000e+00> : vector<128xf32>
    %reduce_sum3A_1120 = vector.multi_reduction <add>, %mul3A_1118, %reduce_sum3A_1119 [0] : vector<128x128xf32> to vector<128xf32>
    %add3A_1121 = vector.broadcast %get3A_8 : f32 to vector<128xf32>
    %add3A_1122 = arith.addf %reduce_sum3A_1120, %add3A_1121 : vector<128xf32>
    %swap3A_1123 = arith.constant 0 : index
    %swap3A_1124 = arith.constant 0 : index
    %swap3A_1125 = arith.constant 9472 : index
    %swap3A_1126 = vector.load %arg5[%swap3A_1123, %swap3A_1124, %swap3A_1125] : memref<1x1x10000xf32, #tpu.memory_space<vmem>>, vector<1x1x128xf32>
    %swap3A_1127 = vector.shape_cast %swap3A_1126 : vector<1x1x128xf32> to vector<128xf32>
    %swap3A_1128 = vector.shape_cast %add3A_1122 : vector<128xf32> to vector<1x1x128xf32>
    tpu.vector_store %arg5[%swap3A_1123, %swap3A_1124, %swap3A_1125], %swap3A_1128 {strides = array<i32>} : memref<1x1x10000xf32, #tpu.memory_space<vmem>>, vector<1x1x128xf32>,
    %slice3A_1129 = vector.extract_strided_slice %dot_general3A_5 {offsets = [9600, 0], sizes = [128, 128], strides = [1, 1]} : vector<10000x128xf32> to vector<128x128xf32>
    %get3A_1130 = arith.constant 0 : index
    %get3A_1131 = arith.constant 0 : index
    %get3A_1132 = vector.load %arg3[%get3A_1130, %get3A_1131] : memref<128x128xf32, #tpu.memory_space<vmem>>, vector<128x128xf32>
    %mul3A_1133 = arith.mulf %slice3A_1129, %get3A_1132 : vector<128x128xf32>
    %reduce_sum3A_1134 = arith.constant dense<0.000000e+00> : vector<128xf32>
    %reduce_sum3A_1135 = vector.multi_reduction <add>, %mul3A_1133, %reduce_sum3A_1134 [0] : vector<128x128xf32> to vector<128xf32>
    %add3A_1136 = vector.broadcast %get3A_8 : f32 to vector<128xf32>
    %add3A_1137 = arith.addf %reduce_sum3A_1135, %add3A_1136 : vector<128xf32>
    %swap3A_1138 = arith.constant 0 : index
    %swap3A_1139 = arith.constant 0 : index
    %swap3A_1140 = arith.constant 9600 : index
    %swap3A_1141 = vector.load %arg5[%swap3A_1138, %swap3A_1139, %swap3A_1140] : memref<1x1x10000xf32, #tpu.memory_space<vmem>>, vector<1x1x128xf32>
    %swap3A_1142 = vector.shape_cast %swap3A_1141 : vector<1x1x128xf32> to vector<128xf32>
    %swap3A_1143 = vector.shape_cast %add3A_1137 : vector<128xf32> to vector<1x1x128xf32>
    tpu.vector_store %arg5[%swap3A_1138, %swap3A_1139, %swap3A_1140], %swap3A_1143 {strides = array<i32>} : memref<1x1x10000xf32, #tpu.memory_space<vmem>>, vector<1x1x128xf32>,
    %slice3A_1144 = vector.extract_strided_slice %dot_general3A_5 {offsets = [9728, 0], sizes = [128, 128], strides = [1, 1]} : vector<10000x128xf32> to vector<128x128xf32>
    %get3A_1145 = arith.constant 0 : index
    %get3A_1146 = arith.constant 0 : index
    %get3A_1147 = vector.load %arg3[%get3A_1145, %get3A_1146] : memref<128x128xf32, #tpu.memory_space<vmem>>, vector<128x128xf32>
    %mul3A_1148 = arith.mulf %slice3A_1144, %get3A_1147 : vector<128x128xf32>
    %reduce_sum3A_1149 = arith.constant dense<0.000000e+00> : vector<128xf32>
    %reduce_sum3A_1150 = vector.multi_reduction <add>, %mul3A_1148, %reduce_sum3A_1149 [0] : vector<128x128xf32> to vector<128xf32>
    %add3A_1151 = vector.broadcast %get3A_8 : f32 to vector<128xf32>
    %add3A_1152 = arith.addf %reduce_sum3A_1150, %add3A_1151 : vector<128xf32>
    %swap3A_1153 = arith.constant 0 : index
    %swap3A_1154 = arith.constant 0 : index
    %swap3A_1155 = arith.constant 9728 : index
    %swap3A_1156 = vector.load %arg5[%swap3A_1153, %swap3A_1154, %swap3A_1155] : memref<1x1x10000xf32, #tpu.memory_space<vmem>>, vector<1x1x128xf32>
    %swap3A_1157 = vector.shape_cast %swap3A_1156 : vector<1x1x128xf32> to vector<128xf32>
    %swap3A_1158 = vector.shape_cast %add3A_1152 : vector<128xf32> to vector<1x1x128xf32>
    tpu.vector_store %arg5[%swap3A_1153, %swap3A_1154, %swap3A_1155], %swap3A_1158 {strides = array<i32>} : memref<1x1x10000xf32, #tpu.memory_space<vmem>>, vector<1x1x128xf32>,
    %slice3A_1159 = vector.extract_strided_slice %dot_general3A_5 {offsets = [9856, 0], sizes = [128, 128], strides = [1, 1]} : vector<10000x128xf32> to vector<128x128xf32>
    %get3A_1160 = arith.constant 0 : index
    %get3A_1161 = arith.constant 0 : index
    %get3A_1162 = vector.load %arg3[%get3A_1160, %get3A_1161] : memref<128x128xf32, #tpu.memory_space<vmem>>, vector<128x128xf32>
    %mul3A_1163 = arith.mulf %slice3A_1159, %get3A_1162 : vector<128x128xf32>
    %reduce_sum3A_1164 = arith.constant dense<0.000000e+00> : vector<128xf32>
    %reduce_sum3A_1165 = vector.multi_reduction <add>, %mul3A_1163, %reduce_sum3A_1164 [0] : vector<128x128xf32> to vector<128xf32>
    %add3A_1166 = vector.broadcast %get3A_8 : f32 to vector<128xf32>
    %add3A_1167 = arith.addf %reduce_sum3A_1165, %add3A_1166 : vector<128xf32>
    %swap3A_1168 = arith.constant 0 : index
    %swap3A_1169 = arith.constant 0 : index
    %swap3A_1170 = arith.constant 9856 : index
    %swap3A_1171 = vector.load %arg5[%swap3A_1168, %swap3A_1169, %swap3A_1170] : memref<1x1x10000xf32, #tpu.memory_space<vmem>>, vector<1x1x128xf32>
    %swap3A_1172 = vector.shape_cast %swap3A_1171 : vector<1x1x128xf32> to vector<128xf32>
    %swap3A_1173 = vector.shape_cast %add3A_1167 : vector<128xf32> to vector<1x1x128xf32>
    tpu.vector_store %arg5[%swap3A_1168, %swap3A_1169, %swap3A_1170], %swap3A_1173 {strides = array<i32>} : memref<1x1x10000xf32, #tpu.memory_space<vmem>>, vector<1x1x128xf32>,
    %slice3A_1174 = vector.extract_strided_slice %dot_general3A_5 {offsets = [9984, 0], sizes = [16, 128], strides = [1, 1]} : vector<10000x128xf32> to vector<16x128xf32>
    %get3A_1175 = arith.constant 0 : index
    %get3A_1176 = arith.constant 0 : index
    %get3A_1177 = vector.load %arg3[%get3A_1175, %get3A_1176] : memref<128x128xf32, #tpu.memory_space<vmem>>, vector<16x128xf32>
    %mul3A_1178 = arith.mulf %slice3A_1174, %get3A_1177 : vector<16x128xf32>
    %reduce_sum3A_1179 = arith.constant dense<0.000000e+00> : vector<128xf32>
    %reduce_sum3A_1180 = vector.multi_reduction <add>, %mul3A_1178, %reduce_sum3A_1179 [0] : vector<16x128xf32> to vector<128xf32>
    %add3A_1181 = vector.broadcast %get3A_8 : f32 to vector<128xf32>
    %add3A_1182 = arith.addf %reduce_sum3A_1180, %add3A_1181 : vector<128xf32>
    %slice3A_1183 = vector.extract_strided_slice %add3A_1182 {offsets = [0], sizes = [16], strides = [1]} : vector<128xf32> to vector<16xf32>
    %swap3A_1184 = arith.constant 0 : index
    %swap3A_1185 = arith.constant 0 : index
    %swap3A_1186 = arith.constant 9984 : index
    %swap3A_1187 = vector.load %arg5[%swap3A_1184, %swap3A_1185, %swap3A_1186] : memref<1x1x10000xf32, #tpu.memory_space<vmem>>, vector<1x1x16xf32>
    %swap3A_1188 = vector.shape_cast %swap3A_1187 : vector<1x1x16xf32> to vector<16xf32>
    %swap3A_1189 = vector.shape_cast %slice3A_1183 : vector<16xf32> to vector<1x1x16xf32>
    tpu.vector_store %arg5[%swap3A_1184, %swap3A_1185, %swap3A_1186], %swap3A_1189 {strides = array<i32>} : memref<1x1x10000xf32, #tpu.memory_space<vmem>>, vector<1x1x16xf32>,
    return
  }
  func.func @transform_0(%arg0: i32) -> (i32, i32) {
    %c0_i32 = arith.constant 0 : i32
    %c0_i32_0 = arith.constant 0 : i32
    return %arg0, %c0_i32 : i32, i32
  }
  func.func @transform_1(%arg0: i32) -> (i32, i32) {
    %c0_i32 = arith.constant 0 : i32
    %c0_i32_0 = arith.constant 0 : i32
    %c0_i32_1 = arith.constant 0 : i32
    return %c0_i32, %c0_i32_0 : i32, i32
  }
  func.func @transform_2(%arg0: i32) -> (i32, i32) {
    %c0_i32 = arith.constant 0 : i32
    %c0_i32_0 = arith.constant 0 : i32
    %c0_i32_1 = arith.constant 0 : i32
    return %c0_i32, %c0_i32_0 : i32, i32
  }
  func.func @transform_3(%arg0: i32) -> (i32, i32) {
    %c0_i32 = arith.constant 0 : i32
    %c0_i32_0 = arith.constant 0 : i32
    %c0_i32_1 = arith.constant 0 : i32
    return %c0_i32, %c0_i32_0 : i32, i32
  }
  func.func @transform_4(%arg0: i32) -> (i32, i32, i32) {
    %c0_i32 = arith.constant 0 : i32
    %c0_i32_0 = arith.constant 0 : i32
    %c0_i32_1 = arith.constant 0 : i32
    return %arg0, %c0_i32, %c0_i32_0 : i32, i32, i32
  }
}

</mosaic_0001>

<sc_bundles>
// kernel: kernel.4.cloned.1.call-start
scs
__scs_entry_jumppad:
0x0: {  	(pc) =	sbr.rel $0x88, $3  }
0x1: {  	(tag) =	ssettag $0x0;
	lr =	simm.s32 $0x1  }
0x2: {  	[smem:$0x3F9D] =	sst lr;
	_ =	strace $0xD0000000  }
0x3: {  	_ = 	snop  }
0x4: {  	_ = 	snop  }
0x5: {  	_ = 	snop  }
0x6: {  	_ = 	snop  }
0x7: {  	_ = 	snop  }
__scs_overlays_trampoline_lowered:
0x8: {  	[smem:$0x3FAC] =	sst s0  }
0x9: {  	[smem:$0x3FAD] =	sst s1  }
0xa: {  	[smem:$0x3FAE] =	sst s2  }
0xb: {  	[smem:$0x3FAF] =	sst s3  }
0xc: {  	[smem:$0x3FB0] =	sst s4  }
0xd: {  	[smem:$0x3FB1] =	sst s5  }
0xe: {  	[smem:$0x3FB2] =	sst s6  }
0xf: {  	[smem:$0x3FB3] =	sst s7  }
0x10: {  	[smem:$0x3FB4] =	sst s8  }
0x11: {  	[smem:$0x3FB5] =	sst s9;
	s0 =	simm.s32 @!p0 $0x0  }
0x12: {  	s1 =	sld [smem:$0x3F9B];
	s0 =	simm.s32 @p0 $0x1  }
0x13: {  	[smem:$0x3FB6] =	sst s0;
	s0 =	simm.s32 @!p1 $0x0  }
0x14: {  	s2 =	sld [smem:$0x3F9A];
	s0 =	simm.s32 @p1 $0x1  }
0x15: {  	[smem:$0x3FB7] =	sst s0;
	s0 =	simm.s32 @!p2 $0x0  }
0x16: {  	s3 =	sld [smem:$0x3FDB];
	s0 =	simm.s32 @p2 $0x1  }
0x17: {  	s4 =	simm.s32 $0x1BF5;
	[smem:$0x3FB9] =	sst s0  }
0x18: {  	s0 =	sld [smem:$0x3F9C];
	_ =	swait.ge [sflag:s4], $0x0  }
0x19: {  	s7 =	sld [smem:$0x3F9D]  }
0x1a: {  	s8 =	sadd.s32 $0xFFFFE003, lr  }
0x1b: {  	s9 =	sadd.s32 $0xFFFFFEF7, lr;
	s5 =	simm.s32 $0xFFFFFFFF;
	p2 =	slt.u32 s8, $0xFFFFF086  }
0x1c: {  	p1 =	slt.u32 s9, $0xF7A;
	s5 =	simm.s32 @!p2 $0x0  }
0x1d: {  	s5 =	simm.s32 @p1 $0x1;
	p0 =	seq.s32 s7, s2  }
0x1e: {  	s7 =	smul.u32 @!p0 $0xF7A, s2;
	p2 =	seq.s32 @!p0 s5, $0x0  }
0x1f: {  	s9 =	smul.u32 $0xF7A, s1;
	s8 =	simm.s32 @!p0 $0x1BF5;
	p2 =	por !p2, p0  }
0x20: {  	[sflag:s8] =	ssyncset.s32 @!p0 $0xFFFFF086;
	s6 =	sadd.s32 @!p0 s3, s7;
	s7 =	simm.s32 @!p0 $0x108  }
0x21: {  	s3 =	sadd.s32 s3, s9;
	s6 =	sadd.s32 @!p0 $0x88, s6;
	s7 =	simm.s32 @p2 $0x1082  }
0x22: {  	[simem:s7], [sflag:s8] =	dma.local @!p0 [hbm:s6], $0xF7A  }
0x23: {  	s9 =	sor.u32 $0xD0000000, s2;
	s6 =	simm.s32 $0x108;
	_ =	swait.ge @!p0 [sflag:s8], $0x0  }
0x24: {  	s3 =	sadd.s32 $0x88, s3;
	s6 =	simm.s32 @!p1 $0x1082;
	[sflag:s4] =	ssyncset.s32 $0xFFFFF086  }
0x25: {  	[simem:s6], [sflag:s4] =	dma.local [hbm:s3], $0xF7A  }
0x26: {  	[smem:$0x3F9D] =	sst s1;
	(tag) =	ssettag s2;
	_ =	strace s9  }
0x27: {  	s1 =	sld [smem:$0x3FAD]  }
0x28: {  	s2 =	sld [smem:$0x3FAE]  }
0x29: {  	s4 =	sld [smem:$0x3FB0]  }
0x2a: {  	p0 =	seq.s32 s5, $0x0;
	s5 =	sld [smem:$0x3FB1]  }
0x2b: {  	s6 =	sld [smem:$0x3FB2]  }
0x2c: {  	s7 =	sld [smem:$0x3FB3]  }
0x2d: {  	s3 =	simm.s32 $0x108;
	s8 =	sld [smem:$0x3FB4]  }
0x2e: {  	s3 =	simm.s32 @!p0 $0x1082;
	s9 =	sld [smem:$0x3FB5]  }
0x2f: {  	lr =	sadd.s32 s0, s3;
	s0 =	sld [smem:$0x3FAC]  }
0x30: {  	s3 =	sld [smem:$0x3FAF]  }
0x31: {  	[smem:$0x3FB8] =	sst s10  }
0x32: {  	s10 =	sld [smem:$0x3FB6];
	_ =	sdelay $0x3  }
0x33: {  	p0 =	seq.s32 s10, $0x1;
	s10 =	sld [smem:$0x3FB8];
	_ =	sdelay $0x3  }
0x34: {  	[smem:$0x3FB8] =	sst s10  }
0x35: {  	s10 =	sld [smem:$0x3FB7];
	_ =	sdelay $0x3  }
0x36: {  	p1 =	seq.s32 s10, $0x1;
	s10 =	sld [smem:$0x3FB8];
	_ =	sdelay $0x3  }
0x37: {  	[smem:$0x3FB8] =	sst s10  }
0x38: {  	s10 =	sld [smem:$0x3FB9]  }
0x39: {  	_ = 	snop;
	(pc) =	sbr.ind lr, $3  }
0x3a: {  	_ = 	snop  }
0x3b: {  	_ = 	snop  }
0x3c: {  	p2 =	seq.s32 s10, $0x1;
	s10 =	sld [smem:$0x3FB8]  }
0x3d: {  	_ =	shalt  }
0x3e: {  	_ =	shalt  }
0x3f: {  	_ =	shalt  }
0x40: {  	_ =	shalt  }
0x41: {  	_ =	shalt  }
0x42: {  	_ =	shalt  }
0x43: {  	_ =	shalt  }
0x44: {  	_ =	shalt  }
0x45: {  	_ =	shalt  }
0x46: {  	_ =	shalt  }
0x47: {  	_ =	shalt  }
0x48: {  	_ =	shalt  }
0x49: {  	_ =	shalt  }
0x4a: {  	_ =	shalt  }
0x4b: {  	_ =	shalt  }
0x4c: {  	_ =	shalt  }
0x4d: {  	_ =	shalt  }
0x4e: {  	_ =	shalt  }
0x4f: {  	_ =	shalt  }
0x50: {  	_ =	shalt  }
0x51: {  	_ =	shalt  }
0x52: {  	_ =	shalt  }
0x53: {  	_ =	shalt  }
0x54: {  	_ =	shalt  }
0x55: {  	_ =	shalt  }
0x56: {  	_ =	shalt  }
0x57: {  	_ =	shalt  }
0x58: {  	_ =	shalt  }
0x59: {  	_ =	shalt  }
0x5a: {  	_ =	shalt  }
0x5b: {  	_ =	shalt  }
0x5c: {  	_ =	shalt  }
0x5d: {  	_ =	shalt  }
0x5e: {  	_ =	shalt  }
0x5f: {  	_ =	shalt  }
0x60: {  	_ =	shalt  }
0x61: {  	_ =	shalt  }
0x62: {  	_ =	shalt  }
0x63: {  	_ =	shalt  }
0x64: {  	_ =	shalt  }
0x65: {  	_ =	shalt  }
0x66: {  	_ =	shalt  }
0x67: {  	_ =	shalt  }
0x68: {  	_ =	shalt  }
0x69: {  	_ =	shalt  }
0x6a: {  	_ =	shalt  }
0x6b: {  	_ =	shalt  }
0x6c: {  	_ =	shalt  }
0x6d: {  	_ =	shalt  }
0x6e: {  	_ =	shalt  }
0x6f: {  	_ =	shalt  }
0x70: {  	_ =	shalt  }
0x71: {  	_ =	shalt  }
0x72: {  	_ =	shalt  }
0x73: {  	_ =	shalt  }
0x74: {  	_ =	shalt  }
0x75: {  	_ =	shalt  }
0x76: {  	_ =	shalt  }
0x77: {  	_ =	shalt  }
0x78: {  	_ =	shalt  }
0x79: {  	_ =	shalt  }
0x7a: {  	_ =	shalt  }
0x7b: {  	_ =	shalt  }
0x7c: {  	_ =	shalt  }
0x7d: {  	_ =	shalt  }
0x7e: {  	_ =	shalt  }
0x7f: {  	_ =	shalt  }
0x80: {  	_ =	shalt  }
0x81: {  	_ =	shalt  }
0x82: {  	_ =	shalt  }
0x83: {  	_ =	shalt  }
0x84: {  	_ =	shalt  }
0x85: {  	_ =	shalt  }
0x86: {  	_ =	shalt  }
0x87: {  	_ =	shalt  }
.Lfunc_end0:
.L_simem_size_0:
called_computation_lowered:
.L_overlay_start_0:
0x88: {  	s2 =	sld [smem:$0x3FD9]  }
0x89: {  	s3 =	sld [smem:$0x3FFE];
	_ =	sdelay $0x1  }
0x8a: {  	s1 =	srdreg.scid  }
0x8b: {  	s0 =	sand.u32 $0x1, s1  }
0x8c: {  	s17 =	sshll.u32 s0, $0xA;
	s2 =	sadd.s32 s3, s2  }
0x8d: {  	s2 =	sadd.s32 s2, s17  }
0x8e: {  	[smem:$0x3FC4] =	sst s2  }
0x8f: {  	_ = 	snop  }
0x90: {  	s2 =	sld [smem:$0x3FD0];
	(tm) =	ssettm $0x1  }
0x91: {  	s18 =	sld [smem:$0x3FFB];
	_ =	sdelay $0x3  }
0x92: {  	_ =	strace s18  }
0x93: {  	s3 =	sld [smem:$0x3FFC];
	_ =	sdelay $0x3  }
0x94: {  	_ =	strace s3  }
0x95: {  	s3 =	sld [smem:$0x3FFD];
	_ =	sdelay $0x3  }
0x96: {  	_ =	strace s3  }
0x97: {  	_ =	strace $0x8FFFFFFF  }
0x98: {  	s19 =	sld [smem:$0x3FDB];
	_ =	sdelay $0x1  }
0x99: {  	s4 =	simm.s32 $_scs_section_size  }
0x9a: {  	s5 =	simm.s32 $_size__tile_overlayer_lowered;
	s6 =	simm.s32 $_tile_overlayer_lowered  }
0x9b: {  	s22 =	simm.s32 $0x1BFF;
	s21 =	sshll.u32 s6, $0x1;
	s3 =	sadd.s32 s4, s19  }
0x9c: {  	s7 =	simm.s32 $0x0;
	s20 =	sshll.u32 s5, $0x1;
	s5 =	sadd.s32 s21, s3  }
0x9d: {  	[timem:s7], [sflag:s22] =	dma.local [hbm:s5], s20  }
0x9e: {  	_ =	swait.ge [sflag:s22], s20  }
0x9f: {  	s4 =	ssub.s32 $0x0, s20;
	[sflag:s22] =	ssyncset.done $0x0  }
0xa0: {  	[sflag:s22] =	ssyncadd.s32 s4;
	_ =	sdelay $0x1  }
0xa1: {  	s23 =	simm.s32 $0x1B8B  }
0xa2: {  	_ =	swait.ge [sflag:s23], $0x1  }
0xa3: {  	[sflag:s23] =	ssyncset.done $0x0  }
0xa4: {  	s25 =	simm.s32 $0x1B8E;
	s24 =	sld [smem:$0x3FFE];
	[sflag:s23] =	ssyncadd.s32 $0xFFFFFFFF  }
0xa5: {  	s26 =	simm.s32 $execute0_lowered;
	[smem:$0x3FD2] =	sst s25  }
0xa6: {  	s5 =	sshll.u32 s26, $0x1;
	_ =	strace $0x80000046;
	[dreg:$0x1] =	wrdreg $0xFFFFFFFF  }
0xa7: {  	s28 =	simm.s32 $_size_execute0_lowered;
	s3 =	sadd.s32 s3, s5;
	[dreg:$0x0] =	wrdreg $0x0  }
0xa8: {  	s5 =	sshll.u32 s28, $0x1;
	[dreg:$0x2] =	wrdreg s3  }
0xa9: {  	[dreg:$0x3] =	wrdreg s5  }
0xaa: {  	[dreg:$0x4] =	wrdreg $0xC0  }
0xab: {  	_ =	task [dreg:s7], $0x5FFFF  }
0xac: {  	[dreg:$0x1] =	wrdreg $0xFFFFFFFF  }
0xad: {  	[dreg:$0x0] =	wrdreg $0x60  }
0xae: {  	[dreg:$0x2] =	wrdreg s24  }
0xaf: {  	[dreg:$0x3] =	wrdreg s2  }
0xb0: {  	[dreg:$0x4] =	wrdreg $0x9  }
0xb1: {  	_ =	task.clear_ibuf [dreg:s7], $0x5FFFF;
	_ =	strace $0x90000046  }
0xb2: {  	s29 =	simm.s32 $0x9;
	_ =	strace $0x80000048  }
0xb3: {  	_ =	swait.ge [sflag:s29], $0x1  }
0xb4: {  	[sflag:s29] =	ssyncadd.s32 $0xFFFFFFFF  }
0xb5: {  	_ =	strace $0x90000048  }
0xb6: {  	_ =	sfence  }
0xb7: {  	s30 =	sld [smem:$0x0];
	_ =	sdelay $0x2  }
0xb8: {  	s31 =	sshll.u32 s1, $0xD;
	s1 =	sshrl.u32 s1, $0x2  }
0xb9: {  	s3 =	sand.u32 $0x4000, s31;
	s1 =	sadd.s32 s1, s30  }
0xba: {  	s0 =	sor.u32 s3, s0;
	s1 =	sshll.u32 s1, $0x11  }
0xbb: {  	s0 =	sor.u32 s1, s0  }
0xbc: {  	s0 =	sadd.s32 $0x8F2B, s0  }
0xbd: {  	[sflag:s0] =	ssyncadd.remote.s32 $0x1  }
0xbe: {  	_ =	sfence.sel $0xFFFF  }
0xbf: {  	[dreg:$0x0] =	wrdreg $0xFFFFFFFF;
	(pc) =	sbr.abs _section_cstart, $3  }
0xc0: {  	[dreg:$0x1] =	wrdreg $0xFFFFFFFF  }
0xc1: {  	_ =	task.clear_ibuf [dreg:s7], $0x2FFFF;
	_ =	strace $0x9FFFFFFF  }
0xc2: {  	(tm) =	ssettm $0x7FFFFFFF  }
0xc3: {  	_ =	shalt  }
tec
execute0_lowered:
.L_overlay_start_1:
0x0: {  	(tag) =	ssettag $0x1  }
0x1: {  	v0 =	vimm.s32 $0x58104800;
	v1 =	vlaneseq.u32;
	v3 =	vimm.s32 $0x18500840  }
0x2: {  	v4 =	vimm.s32 $0x38702860;
	vm0 =	vcmask $0x1F10;
	v6 =	vimm.s32 $0x39712961  }
0x3: {  	v8 =	vimm.s32 $0x3A722A62;
	v10 =	vimm.s32 $0x3B732B63;
	v12 =	vimm.s32 $0x3C742C64  }
0x4: {  	v13 =	vimm.s32 $0x5D154D05;
	v14 =	vimm.s32 $0x7D356D25;
	v15 =	vimm.s32 $0x1D550D45  }
0x5: {  	v16 =	vimm.s32 $0x3D752D65;
	v17 =	vimm.s32 $0x5E164E06;
	v18 =	vimm.s32 $0x7E366E26  }
0x6: {  	v2 =	vunpack.c.0.s8.s32 v0;
	v0 =	vimm.s32 $0x78306820;
	v3 =	vunpack.c.0.s8.s32 v3  }
0x7: {  	v4 =	vunpack.c.0.s8.s32 v4;
	v6 =	vunpack.c.0.s8.s32 v6;
	v8 =	vunpack.c.0.s8.s32 v8  }
0x8: {  	v5 =	vunpack.c.0.s8.s32 v0;
	v0 =	vmul.u32 $0xC8, v1;
	v1 =	vimm.s32 $0x59114901  }
0x9: {  	v10 =	vunpack.c.0.s8.s32 v10;
	v3 =	vsel vm0, v4, v3;
	v4 =	vunpack.c.0.s8.s32 v1  }
0xa: {  	v1 =	vimm.s32 $0x79316921;
	v2 =	vsel vm0, v5, v2;
	v5 =	vimm.s32 $0x19510941  }
0xb: {  	v12 =	vunpack.c.0.s8.s32 v12;
	v7 =	vunpack.c.0.s8.s32 v1;
	v5 =	vunpack.c.0.s8.s32 v5  }
0xc: {  	v13 =	vunpack.c.0.s8.s32 v13;
	v2 =	vcombine.low v3, v2;
	v3 =	vimm.s32 $0x5A124A02  }
0xd: {  	v4 =	vsel vm0, v7, v4;
	v7 =	vimm.s32 $0x1A520A42;
	v5 =	vsel vm0, v6, v5  }
0xe: {  	v6 =	vunpack.c.0.s8.s32 v3;
	v3 =	vimm.s32 $0x7A326A22;
	v7 =	vunpack.c.0.s8.s32 v7  }
0xf: {  	v9 =	vunpack.c.0.s8.s32 v3;
	v4 =	vcombine.low v5, v4;
	v5 =	vimm.s32 $0x5B134B03  }
0x10: {  	v7 =	vsel vm0, v8, v7;
	v8 =	vunpack.c.0.s8.s32 v5;
	v5 =	vimm.s32 $0x7B336B23  }
0x11: {  	v6 =	vsel vm0, v9, v6;
	v9 =	vimm.s32 $0x1B530B43;
	v11 =	vunpack.c.0.s8.s32 v5  }
0x12: {  	v14 =	vunpack.c.0.s8.s32 v14;
	v15 =	vunpack.c.0.s8.s32 v15;
	v9 =	vunpack.c.0.s8.s32 v9  }
0x13: {  	v16 =	vunpack.c.0.s8.s32 v16;
	v17 =	vunpack.c.0.s8.s32 v17;
	v8 =	vsel vm0, v11, v8  }
0x14: {  	v11 =	vimm.s32 $0x1C540C44;
	v9 =	vsel vm0, v10, v9;
	v10 =	vimm.s32 $0x5C144C04  }
0x15: {  	v8 =	vcombine.low v9, v8;
	v9 =	vunpack.c.0.s8.s32 v10;
	v10 =	vimm.s32 $0x7C346C24  }
0x16: {  	v18 =	vunpack.c.0.s8.s32 v18;
	v11 =	vunpack.c.0.s8.s32 v11;
	v10 =	vunpack.c.0.s8.s32 v10  }
0x17: {  	s4 =	rddreg [dreg:$0x0];
	v1 =	vadd.s32 $0xC0, v0;
	v3 =	vadd.s32 $0xC1, v0;
	v5 =	vadd.s32 $0xC2, v0  }
0x18: {  	s5 =	rddreg [dreg:$0x1];
	v6 =	vcombine.low v7, v6;
	v9 =	vsel vm0, v10, v9;
	v10 =	vsel vm0, v12, v11  }
0x19: {  	s0 =	rddreg [dreg:$0x2];
	v11 =	vsel vm0, v14, v13;
	v12 =	vsel vm0, v16, v15;
	v14 =	vsel vm0, v18, v17  }
0x1a: {  	s1 =	simm.s32 $0x0;
	s3 =	srdreg.scid;
	s2 =	stileid.u32;
	v13 =	vimm.s32 $0x5F174F07;
	v16 =	vimm.s32 $0x1F570F47;
	v17 =	vimm.s32 $0x3F772F67  }
0x1b: {  	s10 =	simm.s32 $0x1EB00;
	s11 =	simm.s32 $0x3;
	s12 =	simm.s32 $0x0;
	v9 =	vcombine.low v10, v9;
	v10 =	vcombine.low v12, v11;
	v11 =	vimm.s32 $0x1E560E46  }
0x1c: {  	[smem:$0x7FF] =	sst s1;
	s6 =	sand.u32 $0x1, s3;
	s31 =	sshll.u32 s2, $0x1;
	v12 =	vimm.s32 $0x3E762E66;
	v16 =	vunpack.c.0.s8.s32 v16;
	v17 =	vunpack.c.0.s8.s32 v17  }
0x1d: {  	s3 =	sadd.s32 $0x19200, s4;
	s7 =	sor.u32 s6, s31;
	s6 =	ssub.s32 $0x2, s6;
	v15 =	vunpack.c.0.s8.s32 v11;
	v12 =	vunpack.c.0.s8.s32 v12;
	v11 =	vimm.s32 $0x7F376F27  }
0x1e: {  	s8 =	smul.u32 $0xC80, s7;
	s9 =	sshrl.u32 s6, $0x1;
	s7 =	sshll.u32 s7, $0x4;
	v7 =	vadd.s32 $0xC3, v0;
	v13 =	vunpack.c.0.s8.s32 v13;
	v18 =	vunpack.c.0.s8.s32 v11  }
0x1f: {  	_ =	strace $0x80000047;
	s6 =	ssub.s32 s6, s9;
	s5 =	sadd.s32 s5, s7;
	v11 =	vadd.s32 $0xC4, v0;
	v16 =	vsel vm0, v17, v16;
	v15 =	vsel vm0, v12, v15  }
0x20: {  	s7 =	simm.s32 $0x18700;
	s9 =	simm.s32 $0x1;
	s4 =	sadd.s32 s8, s4;
	v12 =	vadd.s32 $0xC5, v0;
	v18 =	vsel vm0, v18, v13;
	v13 =	vadd.s32 $0xC6, v0  }
0x21: {  	s6 =	smax.u32 s6, $0x1;
	s8 =	simm.s32 $0x2;
	s4 =	sadd.s32 $0x200, s4;
	v14 =	vcombine.low v15, v14;
	v15 =	vadd.s32 $0xC7, v0;
	v16 =	vcombine.low v16, v18  }
.LBB2_1:
0x22: {  	[tilespmem:s7], [sflag:$0x2] =	stream.linear.gather [hbm4b:s4+s1], $0x6400, $0x38;
	[tilespmem:$0x1EB80] =	vst v63  }
0x23: {  	_ = 	snop  }
0x24: {  	[tilespmem:s1], [sflag:$0x1] =	stream.linear.gather [hbm4b:s3+s1], $0x18700, $0x38;
	[tilespmem:$0x1EB80] =	vst v63  }
0x25: {  	_ =	swait.ge [sflag:s8], $0x6400  }
0x26: {  	[sflag:s8] =	ssyncset.done $0x0  }
0x27: {  	[sflag:s8] =	ssyncadd.s32 $0xFFFF9C00  }
0x28: {  	_ =	swait.ge [sflag:s9], $0x18700  }
0x29: {  	[sflag:s9] =	ssyncset.done $0x0  }
0x2a: {  	s13 =	simm.s32 $0x0;
	[sflag:s9] =	ssyncadd.s32 $0xFFFE7900  }
.LBB2_2:
0x2b: {  	s14 =	smul.u32 $0xC80, s13;
	_ =	sdelay $0x1  }
0x2c: {  	s15 =	simm.s32 $0x0;
	v17 =	vadd.s32 s14, v0  }
0x2d: {  	v18 =	vadd.s32 s15, v17  }
0x2e: {  	s16 =	simm.s32 $0x1  }
0x2f: {  	v19 =	vadd.s32 s16, v17  }
0x30: {  	s17 =	simm.s32 $0x2  }
0x31: {  	s18 =	simm.s32 $0x3;
	v20 =	vadd.s32 s17, v17  }
0x32: {  	s19 =	simm.s32 $0x4;
	v21 =	vadd.s32 s18, v17;
	v18 =	vld.idx.msk [tilespmem:v18+s7+$0x0], $0xffff  }
0x33: {  	s20 =	simm.s32 $0x5;
	v22 =	vadd.s32 s19, v17  }
0x34: {  	v23 =	vadd.s32 s20, v17;
	v19 =	vld.idx.msk [tilespmem:v19+s7+$0x0], $0xffff  }
0x35: {  	s21 =	simm.s32 $0x6  }
0x36: {  	v24 =	vadd.s32 s21, v17;
	v20 =	vld.idx.msk [tilespmem:v20+s7+$0x0], $0xffff  }
0x37: {  	s22 =	simm.s32 $0x7;
	v21 =	vld.idx.msk [tilespmem:v21+s7+$0x0], $0xffff  }
0x38: {  	v25 =	vadd.s32 s22, v17;
	v22 =	vld.idx.msk [tilespmem:v22+s7+$0x0], $0xffff  }
0x39: {  	s23 =	simm.s32 $0x8;
	v23 =	vld.idx.msk [tilespmem:v23+s7+$0x0], $0xffff  }
0x3a: {  	v26 =	vadd.s32 s23, v17;
	v18 =	vld.idx.msk [tilespmem:v18+s1+$0x0], $0xffff  }
0x3b: {  	s24 =	simm.s32 $0x9;
	v24 =	vld.idx.msk [tilespmem:v24+s7+$0x0], $0xffff  }
0x3c: {  	v27 =	vadd.s32 s24, v17;
	v19 =	vld.idx.msk [tilespmem:v19+s1+$0x0], $0xffff  }
0x3d: {  	v25 =	vld.idx.msk [tilespmem:v25+s7+$0x0], $0xffff  }
0x3e: {  	s25 =	simm.s32 $0xA;
	v28 =	vimm.f32 $0.0e+00;
	v20 =	vld.idx.msk [tilespmem:v20+s1+$0x0], $0xffff  }
0x3f: {  	v29 =	vadd.s32 s25, v17;
	v26 =	vld.idx.msk [tilespmem:v26+s7+$0x0], $0xffff;
	v18 =	vadd.f32 v18, v28  }
0x40: {  	v21 =	vld.idx.msk [tilespmem:v21+s1+$0x0], $0xffff  }
0x41: {  	s26 =	simm.s32 $0xB;
	v27 =	vld.idx.msk [tilespmem:v27+s7+$0x0], $0xffff;
	v18 =	vadd.f32 v19, v18  }
0x42: {  	v22 =	vld.idx.msk [tilespmem:v22+s1+$0x0], $0xffff;
	v28 =	vadd.s32 s26, v17  }
0x43: {  	s28 =	simm.s32 $0xC;
	v19 =	vld.idx.msk [tilespmem:v23+s1+$0x0], $0xffff;
	v18 =	vadd.f32 v20, v18  }
0x44: {  	v23 =	vadd.s32 s28, v17;
	v20 =	vld.idx.msk [tilespmem:v29+s7+$0x0], $0xffff  }
0x45: {  	s29 =	simm.s32 $0xD;
	v29 =	vld.idx.msk [tilespmem:v24+s1+$0x0], $0xffff;
	v18 =	vadd.f32 v21, v18  }
0x46: {  	s30 =	simm.s32 $0xE;
	v30 =	vadd.s32 s29, v17;
	v24 =	vld.idx.msk [tilespmem:v25+s1+$0x0], $0xffff  }
0x47: {  	v31 =	vadd.s32 s30, v17;
	v21 =	vld.idx.msk [tilespmem:v28+s7+$0x0], $0xffff;
	v18 =	vadd.f32 v22, v18  }
0x48: {  	s31 =	simm.s32 $0xF;
	v25 =	vld.idx.msk [tilespmem:v26+s1+$0x0], $0xffff  }
0x49: {  	v28 =	vadd.s32 s31, v17;
	v22 =	vld.idx.msk [tilespmem:v23+s7+$0x0], $0xffff;
	v23 =	vadd.f32 v19, v18  }
0x4a: {  	v26 =	vld.idx.msk [tilespmem:v27+s1+$0x0], $0xffff;
	v18 =	vmov s14;
	s14 =	simm.s32 $0x10  }
0x4b: {  	v19 =	vld.idx.msk [tilespmem:v30+s7+$0x0], $0xffff;
	v27 =	vadd.s32 s14, v17;
	v29 =	vadd.f32 v29, v23  }
0x4c: {  	s16 =	simm.s32 $0x11;
	s15 =	simm.s32 $0x20;
	v23 =	vld.idx.msk [tilespmem:v31+s7+$0x0], $0xffff  }
.LBB2_3:
0x4d: {  	p0 =	slt.u32 s15, $0xB0;
	v30 =	vadd.s32 s16, v17;
	v24 =	vadd.f32 v24, v29;
	v20 =	vld.idx.msk [tilespmem:v20+s1+$0x0], $0xffff  }
0x4e: {  	s16 =	sadd.s32 $0x2, s14;
	v28 =	vld.idx.msk [tilespmem:v28+s7+$0x0], $0xffff  }
0x4f: {  	v29 =	vadd.s32 s16, v17;
	v24 =	vadd.f32 v25, v24;
	v21 =	vld.idx.msk [tilespmem:v21+s1+$0x0], $0xffff  }
0x50: {  	s16 =	sadd.s32 $0x3, s14;
	v25 =	vld.idx.msk [tilespmem:v27+s7+$0x0], $0xffff  }
0x51: {  	v27 =	vadd.s32 s16, v17;
	v24 =	vadd.f32 v26, v24;
	v22 =	vld.idx.msk [tilespmem:v22+s1+$0x0], $0xffff  }
0x52: {  	s16 =	sadd.s32 $0x4, s14;
	v26 =	vld.idx.msk [tilespmem:v30+s7+$0x0], $0xffff  }
0x53: {  	v30 =	vadd.s32 s16, v17;
	v20 =	vadd.f32 v20, v24;
	v19 =	vld.idx.msk [tilespmem:v19+s1+$0x0], $0xffff  }
0x54: {  	s16 =	sadd.s32 $0x5, s14;
	v24 =	vld.idx.msk [tilespmem:v29+s7+$0x0], $0xffff  }
0x55: {  	v29 =	vadd.s32 s16, v17;
	v20 =	vadd.f32 v21, v20;
	v21 =	vld.idx.msk [tilespmem:v23+s1+$0x0], $0xffff  }
0x56: {  	s16 =	sadd.s32 $0x6, s14;
	v23 =	vld.idx.msk [tilespmem:v27+s7+$0x0], $0xffff  }
0x57: {  	v27 =	vadd.s32 s16, v17;
	v20 =	vadd.f32 v22, v20;
	v22 =	vld.idx.msk [tilespmem:v28+s1+$0x0], $0xffff  }
0x58: {  	s16 =	sadd.s32 $0x7, s14;
	v28 =	vld.idx.msk [tilespmem:v30+s7+$0x0], $0xffff  }
0x59: {  	v30 =	vadd.s32 s16, v17;
	v25 =	vld.idx.msk [tilespmem:v25+s1+$0x0], $0xffff;
	v19 =	vadd.f32 v19, v20  }
0x5a: {  	s16 =	sadd.s32 $0x8, s14;
	v20 =	vld.idx.msk [tilespmem:v29+s7+$0x0], $0xffff  }
0x5b: {  	v29 =	vadd.s32 s16, v17;
	v26 =	vld.idx.msk [tilespmem:v26+s1+$0x0], $0xffff;
	v19 =	vadd.f32 v21, v19  }
0x5c: {  	s16 =	sadd.s32 $0x9, s14;
	v21 =	vld.idx.msk [tilespmem:v27+s7+$0x0], $0xffff  }
0x5d: {  	v27 =	vadd.s32 s16, v17;
	v24 =	vld.idx.msk [tilespmem:v24+s1+$0x0], $0xffff;
	v19 =	vadd.f32 v22, v19  }
0x5e: {  	s16 =	sadd.s32 $0xA, s14;
	v22 =	vld.idx.msk [tilespmem:v30+s7+$0x0], $0xffff  }
0x5f: {  	v19 =	vadd.f32 v25, v19;
	v23 =	vld.idx.msk [tilespmem:v23+s1+$0x0], $0xffff;
	v25 =	vadd.s32 s16, v17  }
0x60: {  	s16 =	sadd.s32 $0xB, s14;
	v29 =	vld.idx.msk [tilespmem:v29+s7+$0x0], $0xffff  }
0x61: {  	v19 =	vadd.f32 v26, v19;
	v26 =	vld.idx.msk [tilespmem:v28+s1+$0x0], $0xffff;
	v28 =	vadd.s32 s16, v17  }
0x62: {  	s16 =	sadd.s32 $0xC, s14;
	v30 =	vld.idx.msk [tilespmem:v27+s7+$0x0], $0xffff  }
0x63: {  	v31 =	vadd.s32 s16, v17;
	v19 =	vadd.f32 v24, v19;
	v27 =	vld.idx.msk [tilespmem:v20+s1+$0x0], $0xffff  }
0x64: {  	s16 =	sadd.s32 $0xD, s14;
	v20 =	vld.idx.msk [tilespmem:v25+s7+$0x0], $0xffff  }
0x65: {  	v32 =	vadd.s32 s16, v17;
	v19 =	vadd.f32 v23, v19;
	v23 =	vld.idx.msk [tilespmem:v21+s1+$0x0], $0xffff  }
0x66: {  	s16 =	sadd.s32 $0xE, s14;
	v21 =	vld.idx.msk [tilespmem:v28+s7+$0x0], $0xffff  }
0x67: {  	v33 =	vadd.s32 s16, v17;
	v19 =	vadd.f32 v26, v19;
	v24 =	vld.idx.msk [tilespmem:v22+s1+$0x0], $0xffff  }
.Ltmp0:
0x68: {  	s16 =	sadd.s32 $0xF, s14;
	s14 =	smov.u32 s15;
	v22 =	vld.idx.msk [tilespmem:v31+s7+$0x0], $0xffff;
	(pc) =	sbr.rel @p0 .LBB2_3-.Ltmp0, $4  }
0x69: {  	v28 =	vadd.s32 s16, v17;
	v26 =	vadd.f32 v27, v19;
	v25 =	vld.idx.msk [tilespmem:v29+s1+$0x0], $0xffff  }
0x6a: {  	v19 =	vld.idx.msk [tilespmem:v32+s7+$0x0], $0xffff  }
0x6b: {  	v27 =	vadd.s32 s15, v17;
	v29 =	vadd.f32 v23, v26;
	v26 =	vld.idx.msk [tilespmem:v30+s1+$0x0], $0xffff  }
0x6c: {  	s16 =	sadd.s32 $0x1, s14;
	s15 =	sadd.s32 $0x10, s15;
	v23 =	vld.idx.msk [tilespmem:v33+s7+$0x0], $0xffff  }
0x6d: {  	_ =	sdelay $0x2  }
0x6e: {  	v24 =	vadd.f32 v24, v29  }
0x6f: {  	v20 =	vld.idx.msk [tilespmem:v20+s1+$0x0], $0xffff  }
0x70: {  	v57 =	vadd.s32 s16, v17;
	v28 =	vld.idx.msk [tilespmem:v28+s7+$0x0], $0xffff;
	v24 =	vadd.f32 v25, v24  }
0x71: {  	s15 =	sadd.s32 $0x2, s14;
	v21 =	vld.idx.msk [tilespmem:v21+s1+$0x0], $0xffff  }
0x72: {  	v27 =	vld.idx.msk [tilespmem:v27+s7+$0x0], $0xffff;
	s17 =	sadd.s32 $0x3, s14;
	v58 =	vadd.s32 s15, v17;
	v24 =	vadd.f32 v26, v24  }
0x73: {  	v22 =	vld.idx.msk [tilespmem:v22+s1+$0x0], $0xffff;
	v59 =	vadd.s32 s17, v17  }
0x74: {  	s18 =	sadd.s32 $0x4, s14;
	v19 =	vld.idx.msk [tilespmem:v19+s1+$0x0], $0xffff;
	v20 =	vadd.f32 v20, v24  }
0x75: {  	v60 =	vadd.s32 s18, v17;
	v29 =	vld.idx.msk [tilespmem:v57+s7+$0x0], $0xffff  }
0x76: {  	s19 =	sadd.s32 $0x5, s14;
	v23 =	vld.idx.msk [tilespmem:v23+s1+$0x0], $0xffff;
	v20 =	vadd.f32 v21, v20  }
0x77: {  	v61 =	vadd.s32 s19, v17;
	v25 =	vld.idx.msk [tilespmem:v58+s7+$0x0], $0xffff  }
0x78: {  	s20 =	sadd.s32 $0x6, s14;
	v26 =	vld.idx.msk [tilespmem:v59+s7+$0x0], $0xffff;
	v20 =	vadd.f32 v22, v20  }
0x79: {  	v62 =	vadd.s32 s20, v17;
	v28 =	vld.idx.msk [tilespmem:v28+s1+$0x0], $0xffff  }
0x7a: {  	s21 =	sadd.s32 $0x7, s14;
	v24 =	vld.idx.msk [tilespmem:v60+s7+$0x0], $0xffff;
	v19 =	vadd.f32 v19, v20  }
0x7b: {  	v32 =	vadd.s32 s21, v17;
	v63 =	vld.idx.msk [tilespmem:v27+s1+$0x0], $0xffff  }
0x7c: {  	s22 =	sadd.s32 $0x8, s14;
	v21 =	vld.idx.msk [tilespmem:v61+s7+$0x0], $0xffff;
	v19 =	vadd.f32 v23, v19  }
0x7d: {  	v34 =	vadd.s32 s22, v17;
	v33 =	vld.idx.msk [tilespmem:v29+s1+$0x0], $0xffff  }
0x7e: {  	s23 =	sadd.s32 $0x9, s14;
	v22 =	vld.idx.msk [tilespmem:v62+s7+$0x0], $0xffff;
	v19 =	vadd.f32 v28, v19  }
0x7f: {  	v35 =	vadd.s32 s23, v17;
	v25 =	vld.idx.msk [tilespmem:v25+s1+$0x0], $0xffff  }
0x80: {  	s24 =	sadd.s32 $0xA, s14;
	v27 =	vld.idx.msk [tilespmem:v32+s7+$0x0], $0xffff;
	v19 =	vadd.f32 v63, v19  }
0x81: {  	v37 =	vadd.s32 s24, v17;
	v36 =	vld.idx.msk [tilespmem:v26+s1+$0x0], $0xffff  }
0x82: {  	s25 =	sadd.s32 $0xB, s14;
	v29 =	vld.idx.msk [tilespmem:v34+s7+$0x0], $0xffff;
	v19 =	vadd.f32 v33, v19  }
0x83: {  	v39 =	vadd.s32 s25, v17;
	v38 =	vld.idx.msk [tilespmem:v24+s1+$0x0], $0xffff  }
0x84: {  	v28 =	vld.idx.msk [tilespmem:v35+s7+$0x0], $0xffff;
	v19 =	vadd.f32 v25, v19  }
0x85: {  	s26 =	sadd.s32 $0xC, s14;
	v21 =	vld.idx.msk [tilespmem:v21+s1+$0x0], $0xffff  }
0x86: {  	s28 =	sadd.s32 $0xD, s14;
	v40 =	vadd.s32 s26, v17;
	v26 =	vld.idx.msk [tilespmem:v37+s7+$0x0], $0xffff;
	v19 =	vadd.f32 v36, v19  }
0x87: {  	v42 =	vadd.s32 s28, v17;
	v41 =	vld.idx.msk [tilespmem:v22+s1+$0x0], $0xffff  }
0x88: {  	s29 =	sadd.s32 $0xE, s14;
	v24 =	vld.idx.msk [tilespmem:v39+s7+$0x0], $0xffff;
	v19 =	vadd.f32 v38, v19  }
0x89: {  	v44 =	vadd.s32 s29, v17;
	v43 =	vld.idx.msk [tilespmem:v27+s1+$0x0], $0xffff  }
0x8a: {  	s30 =	sadd.s32 $0xF, s14;
	v45 =	vld.idx.msk [tilespmem:v29+s1+$0x0], $0xffff;
	v19 =	vadd.f32 v21, v19  }
0x8b: {  	v46 =	vadd.s32 v1, v18;
	v17 =	vadd.s32 s30, v17;
	v25 =	vld.idx.msk [tilespmem:v40+s7+$0x0], $0xffff  }
0x8c: {  	v47 =	vand.u32 $0xFF80, v46;
	v22 =	vld.idx.msk [tilespmem:v42+s7+$0x0], $0xffff;
	v19 =	vadd.f32 v41, v19  }
0x8d: {  	v48 =	vadd.s32 v3, v18;
	v20 =	vor.u32 v2, v47;
	v28 =	vld.idx.msk [tilespmem:v28+s1+$0x0], $0xffff  }
0x8e: {  	v49 =	vand.u32 $0xFF80, v48;
	v27 =	vld.idx.msk [tilespmem:v44+s7+$0x0], $0xffff;
	v19 =	vadd.f32 v43, v19  }
0x8f: {  	v23 =	vor.u32 v4, v49;
	v26 =	vld.idx.msk [tilespmem:v26+s1+$0x0], $0xffff  }
0x90: {  	v50 =	vadd.s32 v5, v18;
	v17 =	vld.idx.msk [tilespmem:v17+s7+$0x0], $0xffff;
	v19 =	vadd.f32 v45, v19  }
0x91: {  	v52 =	vadd.s32 v7, v18;
	v51 =	vand.u32 $0xFF80, v50;
	v24 =	vld.idx.msk [tilespmem:v24+s1+$0x0], $0xffff  }
0x92: {  	v53 =	vand.u32 $0xFF80, v52;
	v20 =	vld.idx.msk [tilespmem:v20+s7+$0x0], $0xffff;
	v21 =	vor.u32 v6, v51;
	v19 =	vadd.f32 v28, v19  }
0x93: {  	v25 =	vld.idx.msk [tilespmem:v25+s1+$0x0], $0xffff;
	v28 =	vor.u32 v8, v53  }
0x94: {  	v54 =	vadd.s32 v11, v18;
	v23 =	vld.idx.msk [tilespmem:v23+s7+$0x0], $0xffff;
	v19 =	vadd.f32 v26, v19  }
0x95: {  	v22 =	vld.idx.msk [tilespmem:v22+s1+$0x0], $0xffff;
	v26 =	vand.u32 $0xFF80, v54  }
0x96: {  	v56 =	vadd.s32 v12, v18;
	v27 =	vld.idx.msk [tilespmem:v27+s1+$0x0], $0xffff;
	v55 =	vor.u32 v9, v26;
	v19 =	vadd.f32 v24, v19  }
0x97: {  	v58 =	vadd.s32 v13, v18;
	v21 =	vld.idx.msk [tilespmem:v21+s7+$0x0], $0xffff;
	v26 =	vand.u32 $0xFF80, v56  }
0x98: {  	v26 =	vor.u32 v10, v26;
	v57 =	vld.idx.msk [tilespmem:v28+s7+$0x0], $0xffff;
	v28 =	vand.u32 $0xFF80, v58;
	v19 =	vadd.f32 v25, v19  }
0x99: {  	v18 =	vadd.s32 v15, v18;
	v17 =	vld.idx.msk [tilespmem:v17+s1+$0x0], $0xffff;
	v59 =	vor.u32 v14, v28  }
0x9a: {  	v18 =	vand.u32 $0xFF80, v18;
	v20 =	vld.idx.msk [tilespmem:v20+s1+$0x0], $0xffff;
	v19 =	vadd.f32 v22, v19  }
0x9b: {  	v18 =	vor.u32 v16, v18;
	v24 =	vld.idx.msk [tilespmem:v55+s7+$0x0], $0xffff  }
0x9c: {  	v23 =	vld.idx.msk [tilespmem:v23+s1+$0x0], $0xffff;
	v19 =	vadd.f32 v27, v19  }
0x9d: {  	v26 =	vld.idx.msk [tilespmem:v26+s7+$0x0], $0xffff  }
0x9e: {  	v60 =	vld.idx.msk [tilespmem:v59+s7+$0x0], $0xffff;
	v17 =	vadd.f32 v17, v19  }
0x9f: {  	v19 =	vld.idx.msk [tilespmem:v21+s1+$0x0], $0xffff  }
0xa0: {  	v18 =	vld.idx.msk [tilespmem:v18+s7+$0x0], $0xffff;
	v17 =	vadd.f32 v20, v17  }
0xa1: {  	v61 =	vld.idx.msk [tilespmem:v57+s1+$0x0], $0xffff  }
0xa2: {  	v17 =	vadd.f32 v23, v17  }
0xa3: {  	v62 =	vld.idx.msk [tilespmem:v24+s1+$0x0], $0xffff  }
0xa4: {  	v17 =	vadd.f32 v19, v17  }
0xa5: {  	v19 =	vld.idx.msk [tilespmem:v26+s1+$0x0], $0xffff  }
0xa6: {  	v17 =	vadd.f32 v61, v17  }
0xa7: {  	v63 =	vld.idx.msk [tilespmem:v60+s1+$0x0], $0xffff  }
0xa8: {  	v17 =	vadd.f32 v62, v17  }
0xa9: {  	v18 =	vld.idx.msk [tilespmem:v18+s1+$0x0], $0xffff  }
0xaa: {  	v17 =	vadd.f32 v19, v17;
	_ =	sdelay $0x1  }
0xab: {  	v17 =	vadd.f32 v63, v17;
	_ =	sdelay $0x1  }
0xac: {  	v17 =	vadd.f32 v18, v17;
	_ =	sdelay $0x1  }
0xad: {  	v17 =	vmul.f32 $-4.999999890e-03, v17;
	_ =	sdelay $0x1  }
0xae: {  	v17 =	vadd.f32 $0.0e+00, v17;
	_ =	sdelay $0x1  }
0xaf: {  	v17 =	vmul.f32 $1.442695020e+00, v17;
	_ =	sdelay $0x1  }
0xb0: {  	(erf) = vpow2.f32 v17;
	_ =	sdelay $0x8  }
0xb1: {  	v17 =	vpop (erf)  }
0xb2: {  	v17 =	vadd.f32 $1.000000000e+00, v17;
	_ =	sdelay $0x1  }
0xb3: {  	(erf) = vrcp.f32 v17;
	_ =	sdelay $0x3  }
0xb4: {  	s31 =	sshll.u32 s13, $0x4;
	s13 =	sadd.s32 $0x1, s13  }
0xb5: {  	p0 =	sne.s32 s13, $0x8  }
.Ltmp1:
0xb6: {  	_ = 	snop;
	(pc) =	sbr.rel @p0 .LBB2_2-.Ltmp1, $3  }
0xb7: {  	_ =	sdelay $0x1  }
0xb8: {  	s14 =	sand.u32 $0x3FFFFFF0, s31;
	v17 =	vpop (erf)  }
0xb9: {  	[tilespmem:s14+$0x1EB00] =	vst v17  }
0xba: {  	s12 =	sadd.s32 $0x1, s12  }
0xbb: {  	p0 =	sne.s32 s12, s6  }
.Ltmp2:
0xbc: {  	_ = 	snop;
	(pc) =	sbr.rel @p0 .LBB2_1-.Ltmp2, $4  }
0xbd: {  	[hbm4b:s5+s1] =	stream.linear.scatter [tilespmem:s10], [sflag:$0x3], $0x80, $0x38;
	[tilespmem:$0x1EB80] =	vst v63  }
0xbe: {  	_ =	swait.ge [sflag:s11], $0x80  }
0xbf: {  	[sflag:s11] =	ssyncset.done $0x0  }
0xc0: {  	[sflag:s11] =	ssyncadd.s32 $0xFFFFFF80  }
0xc1: {  	_ =	sfence.sel $0x180000  }
0xc2: {  	[bflag:$0x0] =	sbarrier.arrive $0xFFFF  }
0xc3: {  	p0 =	sne.s32 s2, $0x0;
	_ =	strace $0x90000047  }
0xc4: {  	s0 =	sadd.s32 @!p0 $0x100000, s0;
	[bflag:$0x2] =	sbarrier.arrive $0xFFFF  }
0xc5: {  	[sflag:s0] =	ssyncadd.tile.s32 @!p0 $0x1;
	_ =	shalt  }
.Lfunc_end2:
_tile_overlayer_lowered:
.L_overlay_start_2:
0xc6: {  	(tag) =	ssettag $0x2  }
0xc7: {  	s0 =	rddreg [dreg:$0x0];
	s2 =	stileid.u32  }
0xc8: {  	s1 =	rddreg [dreg:$0x1];
	p0 =	sne.s32 s2, $0x0  }
0xc9: {  	s3 =	rddreg [dreg:$0x2];
	[bflag:$0x3] =	sbarrier.arrive $0xFFFF;
	s2 =	simm.s32 @!p0 $0x1C03  }
0xca: {  	[timem:s3], [sflag:s2] =	dma.local @!p0 [hbm:s0], s1  }
0xcb: {  	s0 =	simm.s32 @!p0 $0x3  }
0xcc: {  	_ =	swait.ge @!p0 [sflag:s0], s1  }
0xcd: {  	s1 =	ssub.s32 @!p0 $0x0, s1;
	[sflag:s0] =	ssyncset.done @!p0 $0x0  }
0xce: {  	[sflag:s0] =	ssyncadd.s32 @!p0 s1  }
0xcf: {  	[bflag:$0x3] =	sbarrier.arrive $0xFFFF  }
0xd0: {  	_ =	shalt  }

</sc_bundles>
